<compile_context>
chip_gen: v7x
topology: tpu7x:2x2x1
jax: 0.10.2.dev20260603
libtpu: 0.0.44.dev20260713+nightly
codegen_flags: <defaults>
</compile_context>

<pallas_src>
import functools

import jax
import jax.numpy as jnp
from jax import lax
from jax.experimental import pallas as pl
from jax.experimental.pallas import tpu as pltpu
from jax.experimental.pallas import tpu_sc as plsc

_NUM_CORES = 2
_NUM_SUBCORES = 16
_NW = _NUM_CORES * _NUM_SUBCORES
_LANES = 16

_ROW_BLK = 6400
_NBH = 8
_HALFV = _NBH * _ROW_BLK


def _round_bf16_bits(prod):
    bits = lax.bitcast_convert_type(prod, jnp.int32)
    lsb = lax.bitwise_and(lax.shift_right_logical(bits, 16), 1)
    return lax.shift_right_logical(bits + 0x7FFF + lsb, 16)


def _scores(emb, W, b, x, hist):
    V, D = emb.shape
    assert V <= 2 * _HALFV
    inv = 1.0 / float(hist)

    def body(lo_ref, hi_ref, w_ref, b_ref, out_ref):
        dims = (((1,), (1,)), ((), ()))
        lo = lax.dot_general(w_ref[:], lo_ref[:], dims,
                             preferred_element_type=jnp.float32)
        hi = lax.dot_general(w_ref[:], hi_ref[:], dims,
                             preferred_element_type=jnp.float32)
        lo = lo * inv + b_ref[0] * inv
        hi = hi * inv + b_ref[0] * inv
        out_ref[0] = lax.bitwise_or(
            _round_bf16_bits(lo), lax.shift_left(_round_bf16_bits(hi), 16))

    out = pl.pallas_call(
        body,
        grid=(_NBH,),
        in_specs=[
            pl.BlockSpec((_ROW_BLK, D), lambda i: (i, 0)),
            pl.BlockSpec((_ROW_BLK, D), lambda i: (i + _NBH, 0)),
            pl.BlockSpec((1, D), lambda i: (0, 0)),
            pl.BlockSpec(memory_space=pltpu.SMEM),
        ],
        out_specs=pl.BlockSpec((1, 1, _ROW_BLK), lambda i: (i, 0, 0)),
        out_shape=jax.ShapeDtypeStruct((_NBH, 1, _ROW_BLK), jnp.int32),
    )(emb, emb, W, b)
    return out.reshape(_HALFV), jnp.transpose(x)


def _pooled_scores(s, x_t, batch, hist):
    V = s.shape[0]
    per_tile = batch // _NW
    n_blk = per_tile // _LANES

    mesh = plsc.VectorSubcoreMesh(
        core_axis_name="c", subcore_axis_name="s",
        num_cores=_NUM_CORES, num_subcores=_NUM_SUBCORES)

    @functools.partial(
        pl.kernel,
        out_type=jax.ShapeDtypeStruct((batch,), jnp.float32),
        mesh=mesh,
        compiler_params=pltpu.CompilerParams(needs_layout_passes=False),
        scratch_types=[
            pltpu.VMEM((V,), jnp.int32),
            pltpu.VMEM((hist, per_tile), jnp.int32),
            pltpu.VMEM((per_tile,), jnp.float32),
            pltpu.SemaphoreType.DMA,
        ],
    )
    def run(s_hbm, x_hbm, out_hbm, s_v, x_v, out_v, sem):
        wid = lax.axis_index("s") * _NUM_CORES + lax.axis_index("c")
        cp = pltpu.async_copy(s_hbm, s_v, sem)
        pltpu.sync_copy(x_hbm.at[:, pl.ds(wid * per_tile, per_tile)], x_v)
        cp.wait()

        unroll = 2
        assert hist % unroll == 0

        def step(j0, accs):
            new = list(accs)
            for u in range(unroll):
                j = j0 * unroll + u
                for rb in range(n_blk):
                    idx = x_v[j, pl.ds(rb * _LANES, _LANES)]
                    in_hi = lax.ge(idx, jnp.int32(_HALFV))
                    word = plsc.load_gather(
                        s_v, [lax.select(in_hi, idx - _HALFV, idx)])
                    bits = lax.select(
                        in_hi,
                        lax.bitwise_and(word, jnp.int32(-65536)),
                        lax.shift_left(word, 16))
                    new[rb] = new[rb] + plsc.bitcast(bits, jnp.float32)
            return tuple(new)

        accs = lax.fori_loop(
            0, hist // unroll, step,
            tuple(jnp.zeros((_LANES,), jnp.float32) for _ in range(n_blk)))
        for rb in range(n_blk):
            out_v[pl.ds(rb * _LANES, _LANES)] = accs[rb]
        pltpu.sync_copy(out_v, out_hbm.at[pl.ds(wid * per_tile, per_tile)])

    return run(s, x_t)


def kernel(x, emb, W, b):
    B, H = x.shape
    s, x_t = _scores(emb, W, b, x, H)
    pooled = _pooled_scores(s, x_t, B, H)
    return pooled.reshape(B, 1)

# --- scband reference (transcript-rebuilt; emitter-appended) ---
"""Pipeline reference for scband-neural-regressor-36532991820665 (READ-ONLY COPY).

The authoritative reference and input builder live on the scoring server;
editing this copy changes nothing except your own understanding.
"""

import jax, jax.numpy as jnp
import numpy as np

VOCAB = 100000
EMBED_DIM = 128
BATCH = 4096
HIST = 200


def setup_inputs(seed: int = 0) -> dict:
    key = jax.random.key(seed)
    k_x, k_emb, k_w = jax.random.split(key, 3)
    x = jax.random.randint(k_x, (BATCH, HIST), 0, VOCAB, dtype=jnp.int64 if jax.config.jax_enable_x64 else jnp.int32).astype(jnp.int32)
    emb = jax.random.normal(k_emb, (VOCAB, EMBED_DIM), dtype=jnp.float32) * 0.02
    emb = emb.at[0].set(0.0)  # padding_idx=0
    W = jax.random.normal(k_w, (1, EMBED_DIM), dtype=jnp.float32) * (1.0 / np.sqrt(EMBED_DIM))
    b = jnp.zeros((1,), dtype=jnp.float32)
    return {"x": x, "emb": emb, "W": W, "b": b}


def reference(x, emb, W, b):
    # nn.Embedding lookup (padding_idx=0 row is zero in the table)
    embedded = jnp.take(emb, x, axis=0)            # [B, L, D]
    # F.avg_pool2d(embedded, (L, 1)).squeeze(1) == mean over the L axis
    pooled = jnp.mean(embedded, axis=1)            # [B, D]
    # nn.Linear(embedding_dim, 1)
    output = pooled @ W.T + b                      # [B, 1]
    return output

if __name__ == "__main__":
    import jax
    _d = setup_inputs()
    print(jax.jit(kernel)(*tuple(_d.values())))

</pallas_src>

<mosaic_0001>
#map = affine_map<(d0, d1) -> (0)>
#map1 = affine_map<(d0, d1) -> (0, 0)>
module attributes {stable_mosaic.version = 14 : i64} {
  func.func @run(%arg0: i32, %arg1: i32, %arg2: memref<51200xi32, #tpu.memory_space<hbm>>, %arg3: memref<200x4096xi32, #tpu.memory_space<hbm>>, %arg4: memref<4096xf32, #tpu.memory_space<hbm>>, %arg5: memref<51200xi32, #tpu.memory_space<vmem>>, %arg6: memref<200x128xi32, #tpu.memory_space<vmem>>, %arg7: memref<128xf32, #tpu.memory_space<vmem>>, %arg8: memref<!tpu.dma_semaphore, #tpu.memory_space<semaphore_mem>>) attributes {dimension_semantics = [#tpu.dimension_semantics<core_parallel>, #tpu.dimension_semantics<subcore_parallel>], iteration_bounds = array<i64: 2, 16>, scalar_prefetch = 0 : i64, scratch_operands = 4 : i64, tpu.core_type = #tpu.core_type<sc_vector_subcore>, window_params = [{transform_indices = #map}, {transform_indices = #map1}, {transform_indices = #map}]} {
    %mul3A = arith.constant 2 : i32
    %mul3A_0 = arith.muli %arg1, %mul3A : i32
    %add3A = arith.addi %mul3A_0, %arg0 : i32
    tpu.enqueue_dma source(%arg2 : memref<51200xi32, #tpu.memory_space<hbm>>) target(%arg5 : memref<51200xi32, #tpu.memory_space<vmem>>) target_semaphore(%arg8 : memref<!tpu.dma_semaphore, #tpu.memory_space<semaphore_mem>>)
    %mul3A_1 = arith.constant 128 : i32
    %mul3A_2 = arith.muli %add3A, %mul3A_1 : i32
    "tpu.region"() ({
      %run_scoped3A = tpu.sem_alloc : memref<!tpu.dma_semaphore, #tpu.memory_space<semaphore_mem>>
      %dma_start3A = arith.constant 0 : i32
      %dma_start3A_40 = tpu.memref_slice %arg3[%dma_start3A, %mul3A_2] : memref<200x4096xi32, #tpu.memory_space<hbm>> -> memref<200x128xi32, #tpu.memory_space<hbm>>
      %dma_start3A_41 = arith.constant 0 : i32
      %dma_start3A_42 = tpu.memref_slice %arg3[%dma_start3A_41, %mul3A_2] : memref<200x4096xi32, #tpu.memory_space<hbm>> -> memref<200x128xi32, #tpu.memory_space<hbm>>
      tpu.enqueue_dma source(%dma_start3A_42 : memref<200x128xi32, #tpu.memory_space<hbm>>) target(%arg6 : memref<200x128xi32, #tpu.memory_space<vmem>>) target_semaphore(%run_scoped3A : memref<!tpu.dma_semaphore, #tpu.memory_space<semaphore_mem>>)
      %dma_wait3A = arith.constant 0 : i32
      %dma_wait3A_43 = tpu.memref_slice %arg3[%dma_wait3A, %mul3A_2] : memref<200x4096xi32, #tpu.memory_space<hbm>> -> memref<200x128xi32, #tpu.memory_space<hbm>>
      %dma_wait3A_44 = arith.constant 0 : i32
      %dma_wait3A_45 = tpu.memref_slice %arg3[%dma_wait3A_44, %mul3A_2] : memref<200x4096xi32, #tpu.memory_space<hbm>> -> memref<200x128xi32, #tpu.memory_space<hbm>>
      tpu.wait_dma2 semaphore(%run_scoped3A : memref<!tpu.dma_semaphore, #tpu.memory_space<semaphore_mem>>) src(%dma_wait3A_45 : memref<200x128xi32, #tpu.memory_space<hbm>>) dst(%arg6 : memref<200x128xi32, #tpu.memory_space<vmem>>)
      tpu.yield
    }) : () -> ()
    tpu.wait_dma2 semaphore(%arg8 : memref<!tpu.dma_semaphore, #tpu.memory_space<semaphore_mem>>) src(%arg2 : memref<51200xi32, #tpu.memory_space<hbm>>) dst(%arg5 : memref<51200xi32, #tpu.memory_space<vmem>>)
    %broadcast_in_dim3A = arith.constant 0.000000e+00 : f32
    %broadcast_in_dim3A_3 = vector.broadcast %broadcast_in_dim3A : f32 to vector<16xf32>
    %broadcast_in_dim3A_4 = arith.constant 0.000000e+00 : f32
    %broadcast_in_dim3A_5 = vector.broadcast %broadcast_in_dim3A_4 : f32 to vector<16xf32>
    %broadcast_in_dim3A_6 = arith.constant 0.000000e+00 : f32
    %broadcast_in_dim3A_7 = vector.broadcast %broadcast_in_dim3A_6 : f32 to vector<16xf32>
    %broadcast_in_dim3A_8 = arith.constant 0.000000e+00 : f32
    %broadcast_in_dim3A_9 = vector.broadcast %broadcast_in_dim3A_8 : f32 to vector<16xf32>
    %broadcast_in_dim3A_10 = arith.constant 0.000000e+00 : f32
    %broadcast_in_dim3A_11 = vector.broadcast %broadcast_in_dim3A_10 : f32 to vector<16xf32>
    %broadcast_in_dim3A_12 = arith.constant 0.000000e+00 : f32
    %broadcast_in_dim3A_13 = vector.broadcast %broadcast_in_dim3A_12 : f32 to vector<16xf32>
    %broadcast_in_dim3A_14 = arith.constant 0.000000e+00 : f32
    %broadcast_in_dim3A_15 = vector.broadcast %broadcast_in_dim3A_14 : f32 to vector<16xf32>
    %broadcast_in_dim3A_16 = arith.constant 0.000000e+00 : f32
    %broadcast_in_dim3A_17 = vector.broadcast %broadcast_in_dim3A_16 : f32 to vector<16xf32>
    %scan3A = arith.constant 0 : i32
    %scan3A_18 = arith.constant 100 : i32
    %scan3A_19 = arith.addi %scan3A, %scan3A_18 : i32
    %scan3A_20 = arith.constant 1 : i32
    %scan3A_21:8 = scf.for %scan3A_40 = %scan3A to %scan3A_19 step %scan3A_20 iter_args(%scan3A_41 = %broadcast_in_dim3A_3, %scan3A_42 = %broadcast_in_dim3A_5, %scan3A_43 = %broadcast_in_dim3A_7, %scan3A_44 = %broadcast_in_dim3A_9, %scan3A_45 = %broadcast_in_dim3A_11, %scan3A_46 = %broadcast_in_dim3A_13, %scan3A_47 = %broadcast_in_dim3A_15, %scan3A_48 = %broadcast_in_dim3A_17) -> (vector<16xf32>, vector<16xf32>, vector<16xf32>, vector<16xf32>, vector<16xf32>, vector<16xf32>, vector<16xf32>, vector<16xf32>)  : i32 {
      %mul3A_49 = arith.constant 2 : i32
      %mul3A_50 = arith.muli %scan3A_40, %mul3A_49 : i32
      %add3A_51 = arith.constant 0 : i32
      %add3A_52 = arith.addi %mul3A_50, %add3A_51 : i32
      %get3A = arith.index_cast %add3A_52 : i32 to index
      %get3A_53 = arith.constant 0 : index
      %get3A_54 = tpu.vector_load %arg6[%get3A, %get3A_53] {strides = array<i32>} : memref<200x128xi32, #tpu.memory_space<vmem>>, vector<16xi32>,
      %ge3A = arith.constant 51200 : i32
      %ge3A_55 = vector.broadcast %ge3A : i32 to vector<16xi32>
      %ge3A_56 = arith.cmpi sge, %get3A_54, %ge3A_55 : vector<16xi32>
      %sub3A = arith.constant 51200 : i32
      %sub3A_57 = vector.broadcast %sub3A : i32 to vector<16xi32>
      %sub3A_58 = arith.subi %get3A_54, %sub3A_57 : vector<16xi32>
      %select_n3A = arith.select %ge3A_56, %sub3A_58, %get3A_54 : vector<16xi1>, vector<16xi32>
      %gather3A = tpu.vector_load_idx %arg5[%select_n3A] : memref<51200xi32, #tpu.memory_space<vmem>>[vector<16xi32>], vector<16xi32>,
      %and3A = arith.constant -65536 : i32
      %and3A_59 = vector.broadcast %and3A : i32 to vector<16xi32>
      %and3A_60 = arith.andi %gather3A, %and3A_59 : vector<16xi32>
      %shift_left3A = arith.constant 16 : i32
      %shift_left3A_61 = vector.broadcast %shift_left3A : i32 to vector<16xi32>
      %shift_left3A_62 = arith.shli %gather3A, %shift_left3A_61 : vector<16xi32>
      %select_n3A_63 = arith.select %ge3A_56, %and3A_60, %shift_left3A_62 : vector<16xi1>, vector<16xi32>
      %bitcast3A = vector.bitcast %select_n3A_63 : vector<16xi32> to vector<16xf32>
      %add3A_64 = arith.addf %scan3A_41, %bitcast3A : vector<16xf32>
      %get3A_65 = arith.index_cast %add3A_52 : i32 to index
      %get3A_66 = arith.constant 16 : index
      %get3A_67 = tpu.vector_load %arg6[%get3A_65, %get3A_66] {strides = array<i32>} : memref<200x128xi32, #tpu.memory_space<vmem>>, vector<16xi32>,
      %ge3A_68 = arith.constant 51200 : i32
      %ge3A_69 = vector.broadcast %ge3A_68 : i32 to vector<16xi32>
      %ge3A_70 = arith.cmpi sge, %get3A_67, %ge3A_69 : vector<16xi32>
      %sub3A_71 = arith.constant 51200 : i32
      %sub3A_72 = vector.broadcast %sub3A_71 : i32 to vector<16xi32>
      %sub3A_73 = arith.subi %get3A_67, %sub3A_72 : vector<16xi32>
      %select_n3A_74 = arith.select %ge3A_70, %sub3A_73, %get3A_67 : vector<16xi1>, vector<16xi32>
      %gather3A_75 = tpu.vector_load_idx %arg5[%select_n3A_74] : memref<51200xi32, #tpu.memory_space<vmem>>[vector<16xi32>], vector<16xi32>,
      %and3A_76 = arith.constant -65536 : i32
      %and3A_77 = vector.broadcast %and3A_76 : i32 to vector<16xi32>
      %and3A_78 = arith.andi %gather3A_75, %and3A_77 : vector<16xi32>
      %shift_left3A_79 = arith.constant 16 : i32
      %shift_left3A_80 = vector.broadcast %shift_left3A_79 : i32 to vector<16xi32>
      %shift_left3A_81 = arith.shli %gather3A_75, %shift_left3A_80 : vector<16xi32>
      %select_n3A_82 = arith.select %ge3A_70, %and3A_78, %shift_left3A_81 : vector<16xi1>, vector<16xi32>
      %bitcast3A_83 = vector.bitcast %select_n3A_82 : vector<16xi32> to vector<16xf32>
      %add3A_84 = arith.addf %scan3A_42, %bitcast3A_83 : vector<16xf32>
      %get3A_85 = arith.index_cast %add3A_52 : i32 to index
      %get3A_86 = arith.constant 32 : index
      %get3A_87 = tpu.vector_load %arg6[%get3A_85, %get3A_86] {strides = array<i32>} : memref<200x128xi32, #tpu.memory_space<vmem>>, vector<16xi32>,
      %ge3A_88 = arith.constant 51200 : i32
      %ge3A_89 = vector.broadcast %ge3A_88 : i32 to vector<16xi32>
      %ge3A_90 = arith.cmpi sge, %get3A_87, %ge3A_89 : vector<16xi32>
      %sub3A_91 = arith.constant 51200 : i32
      %sub3A_92 = vector.broadcast %sub3A_91 : i32 to vector<16xi32>
      %sub3A_93 = arith.subi %get3A_87, %sub3A_92 : vector<16xi32>
      %select_n3A_94 = arith.select %ge3A_90, %sub3A_93, %get3A_87 : vector<16xi1>, vector<16xi32>
      %gather3A_95 = tpu.vector_load_idx %arg5[%select_n3A_94] : memref<51200xi32, #tpu.memory_space<vmem>>[vector<16xi32>], vector<16xi32>,
      %and3A_96 = arith.constant -65536 : i32
      %and3A_97 = vector.broadcast %and3A_96 : i32 to vector<16xi32>
      %and3A_98 = arith.andi %gather3A_95, %and3A_97 : vector<16xi32>
      %shift_left3A_99 = arith.constant 16 : i32
      %shift_left3A_100 = vector.broadcast %shift_left3A_99 : i32 to vector<16xi32>
      %shift_left3A_101 = arith.shli %gather3A_95, %shift_left3A_100 : vector<16xi32>
      %select_n3A_102 = arith.select %ge3A_90, %and3A_98, %shift_left3A_101 : vector<16xi1>, vector<16xi32>
      %bitcast3A_103 = vector.bitcast %select_n3A_102 : vector<16xi32> to vector<16xf32>
      %add3A_104 = arith.addf %scan3A_43, %bitcast3A_103 : vector<16xf32>
      %get3A_105 = arith.index_cast %add3A_52 : i32 to index
      %get3A_106 = arith.constant 48 : index
      %get3A_107 = tpu.vector_load %arg6[%get3A_105, %get3A_106] {strides = array<i32>} : memref<200x128xi32, #tpu.memory_space<vmem>>, vector<16xi32>,
      %ge3A_108 = arith.constant 51200 : i32
      %ge3A_109 = vector.broadcast %ge3A_108 : i32 to vector<16xi32>
      %ge3A_110 = arith.cmpi sge, %get3A_107, %ge3A_109 : vector<16xi32>
      %sub3A_111 = arith.constant 51200 : i32
      %sub3A_112 = vector.broadcast %sub3A_111 : i32 to vector<16xi32>
      %sub3A_113 = arith.subi %get3A_107, %sub3A_112 : vector<16xi32>
      %select_n3A_114 = arith.select %ge3A_110, %sub3A_113, %get3A_107 : vector<16xi1>, vector<16xi32>
      %gather3A_115 = tpu.vector_load_idx %arg5[%select_n3A_114] : memref<51200xi32, #tpu.memory_space<vmem>>[vector<16xi32>], vector<16xi32>,
      %and3A_116 = arith.constant -65536 : i32
      %and3A_117 = vector.broadcast %and3A_116 : i32 to vector<16xi32>
      %and3A_118 = arith.andi %gather3A_115, %and3A_117 : vector<16xi32>
      %shift_left3A_119 = arith.constant 16 : i32
      %shift_left3A_120 = vector.broadcast %shift_left3A_119 : i32 to vector<16xi32>
      %shift_left3A_121 = arith.shli %gather3A_115, %shift_left3A_120 : vector<16xi32>
      %select_n3A_122 = arith.select %ge3A_110, %and3A_118, %shift_left3A_121 : vector<16xi1>, vector<16xi32>
      %bitcast3A_123 = vector.bitcast %select_n3A_122 : vector<16xi32> to vector<16xf32>
      %add3A_124 = arith.addf %scan3A_44, %bitcast3A_123 : vector<16xf32>
      %get3A_125 = arith.index_cast %add3A_52 : i32 to index
      %get3A_126 = arith.constant 64 : index
      %get3A_127 = tpu.vector_load %arg6[%get3A_125, %get3A_126] {strides = array<i32>} : memref<200x128xi32, #tpu.memory_space<vmem>>, vector<16xi32>,
      %ge3A_128 = arith.constant 51200 : i32
      %ge3A_129 = vector.broadcast %ge3A_128 : i32 to vector<16xi32>
      %ge3A_130 = arith.cmpi sge, %get3A_127, %ge3A_129 : vector<16xi32>
      %sub3A_131 = arith.constant 51200 : i32
      %sub3A_132 = vector.broadcast %sub3A_131 : i32 to vector<16xi32>
      %sub3A_133 = arith.subi %get3A_127, %sub3A_132 : vector<16xi32>
      %select_n3A_134 = arith.select %ge3A_130, %sub3A_133, %get3A_127 : vector<16xi1>, vector<16xi32>
      %gather3A_135 = tpu.vector_load_idx %arg5[%select_n3A_134] : memref<51200xi32, #tpu.memory_space<vmem>>[vector<16xi32>], vector<16xi32>,
      %and3A_136 = arith.constant -65536 : i32
      %and3A_137 = vector.broadcast %and3A_136 : i32 to vector<16xi32>
      %and3A_138 = arith.andi %gather3A_135, %and3A_137 : vector<16xi32>
      %shift_left3A_139 = arith.constant 16 : i32
      %shift_left3A_140 = vector.broadcast %shift_left3A_139 : i32 to vector<16xi32>
      %shift_left3A_141 = arith.shli %gather3A_135, %shift_left3A_140 : vector<16xi32>
      %select_n3A_142 = arith.select %ge3A_130, %and3A_138, %shift_left3A_141 : vector<16xi1>, vector<16xi32>
      %bitcast3A_143 = vector.bitcast %select_n3A_142 : vector<16xi32> to vector<16xf32>
      %add3A_144 = arith.addf %scan3A_45, %bitcast3A_143 : vector<16xf32>
      %get3A_145 = arith.index_cast %add3A_52 : i32 to index
      %get3A_146 = arith.constant 80 : index
      %get3A_147 = tpu.vector_load %arg6[%get3A_145, %get3A_146] {strides = array<i32>} : memref<200x128xi32, #tpu.memory_space<vmem>>, vector<16xi32>,
      %ge3A_148 = arith.constant 51200 : i32
      %ge3A_149 = vector.broadcast %ge3A_148 : i32 to vector<16xi32>
      %ge3A_150 = arith.cmpi sge, %get3A_147, %ge3A_149 : vector<16xi32>
      %sub3A_151 = arith.constant 51200 : i32
      %sub3A_152 = vector.broadcast %sub3A_151 : i32 to vector<16xi32>
      %sub3A_153 = arith.subi %get3A_147, %sub3A_152 : vector<16xi32>
      %select_n3A_154 = arith.select %ge3A_150, %sub3A_153, %get3A_147 : vector<16xi1>, vector<16xi32>
      %gather3A_155 = tpu.vector_load_idx %arg5[%select_n3A_154] : memref<51200xi32, #tpu.memory_space<vmem>>[vector<16xi32>], vector<16xi32>,
      %and3A_156 = arith.constant -65536 : i32
      %and3A_157 = vector.broadcast %and3A_156 : i32 to vector<16xi32>
      %and3A_158 = arith.andi %gather3A_155, %and3A_157 : vector<16xi32>
      %shift_left3A_159 = arith.constant 16 : i32
      %shift_left3A_160 = vector.broadcast %shift_left3A_159 : i32 to vector<16xi32>
      %shift_left3A_161 = arith.shli %gather3A_155, %shift_left3A_160 : vector<16xi32>
      %select_n3A_162 = arith.select %ge3A_150, %and3A_158, %shift_left3A_161 : vector<16xi1>, vector<16xi32>
      %bitcast3A_163 = vector.bitcast %select_n3A_162 : vector<16xi32> to vector<16xf32>
      %add3A_164 = arith.addf %scan3A_46, %bitcast3A_163 : vector<16xf32>
      %get3A_165 = arith.index_cast %add3A_52 : i32 to index
      %get3A_166 = arith.constant 96 : index
      %get3A_167 = tpu.vector_load %arg6[%get3A_165, %get3A_166] {strides = array<i32>} : memref<200x128xi32, #tpu.memory_space<vmem>>, vector<16xi32>,
      %ge3A_168 = arith.constant 51200 : i32
      %ge3A_169 = vector.broadcast %ge3A_168 : i32 to vector<16xi32>
      %ge3A_170 = arith.cmpi sge, %get3A_167, %ge3A_169 : vector<16xi32>
      %sub3A_171 = arith.constant 51200 : i32
      %sub3A_172 = vector.broadcast %sub3A_171 : i32 to vector<16xi32>
      %sub3A_173 = arith.subi %get3A_167, %sub3A_172 : vector<16xi32>
      %select_n3A_174 = arith.select %ge3A_170, %sub3A_173, %get3A_167 : vector<16xi1>, vector<16xi32>
      %gather3A_175 = tpu.vector_load_idx %arg5[%select_n3A_174] : memref<51200xi32, #tpu.memory_space<vmem>>[vector<16xi32>], vector<16xi32>,
      %and3A_176 = arith.constant -65536 : i32
      %and3A_177 = vector.broadcast %and3A_176 : i32 to vector<16xi32>
      %and3A_178 = arith.andi %gather3A_175, %and3A_177 : vector<16xi32>
      %shift_left3A_179 = arith.constant 16 : i32
      %shift_left3A_180 = vector.broadcast %shift_left3A_179 : i32 to vector<16xi32>
      %shift_left3A_181 = arith.shli %gather3A_175, %shift_left3A_180 : vector<16xi32>
      %select_n3A_182 = arith.select %ge3A_170, %and3A_178, %shift_left3A_181 : vector<16xi1>, vector<16xi32>
      %bitcast3A_183 = vector.bitcast %select_n3A_182 : vector<16xi32> to vector<16xf32>
      %add3A_184 = arith.addf %scan3A_47, %bitcast3A_183 : vector<16xf32>
      %get3A_185 = arith.index_cast %add3A_52 : i32 to index
      %get3A_186 = arith.constant 112 : index
      %get3A_187 = tpu.vector_load %arg6[%get3A_185, %get3A_186] {strides = array<i32>} : memref<200x128xi32, #tpu.memory_space<vmem>>, vector<16xi32>,
      %ge3A_188 = arith.constant 51200 : i32
      %ge3A_189 = vector.broadcast %ge3A_188 : i32 to vector<16xi32>
      %ge3A_190 = arith.cmpi sge, %get3A_187, %ge3A_189 : vector<16xi32>
      %sub3A_191 = arith.constant 51200 : i32
      %sub3A_192 = vector.broadcast %sub3A_191 : i32 to vector<16xi32>
      %sub3A_193 = arith.subi %get3A_187, %sub3A_192 : vector<16xi32>
      %select_n3A_194 = arith.select %ge3A_190, %sub3A_193, %get3A_187 : vector<16xi1>, vector<16xi32>
      %gather3A_195 = tpu.vector_load_idx %arg5[%select_n3A_194] : memref<51200xi32, #tpu.memory_space<vmem>>[vector<16xi32>], vector<16xi32>,
      %and3A_196 = arith.constant -65536 : i32
      %and3A_197 = vector.broadcast %and3A_196 : i32 to vector<16xi32>
      %and3A_198 = arith.andi %gather3A_195, %and3A_197 : vector<16xi32>
      %shift_left3A_199 = arith.constant 16 : i32
      %shift_left3A_200 = vector.broadcast %shift_left3A_199 : i32 to vector<16xi32>
      %shift_left3A_201 = arith.shli %gather3A_195, %shift_left3A_200 : vector<16xi32>
      %select_n3A_202 = arith.select %ge3A_190, %and3A_198, %shift_left3A_201 : vector<16xi1>, vector<16xi32>
      %bitcast3A_203 = vector.bitcast %select_n3A_202 : vector<16xi32> to vector<16xf32>
      %add3A_204 = arith.addf %scan3A_48, %bitcast3A_203 : vector<16xf32>
      %mul3A_205 = arith.constant 2 : i32
      %mul3A_206 = arith.muli %scan3A_40, %mul3A_205 : i32
      %add3A_207 = arith.constant 1 : i32
      %add3A_208 = arith.addi %mul3A_206, %add3A_207 : i32
      %get3A_209 = arith.index_cast %add3A_208 : i32 to index
      %get3A_210 = arith.constant 0 : index
      %get3A_211 = tpu.vector_load %arg6[%get3A_209, %get3A_210] {strides = array<i32>} : memref<200x128xi32, #tpu.memory_space<vmem>>, vector<16xi32>,
      %ge3A_212 = arith.constant 51200 : i32
      %ge3A_213 = vector.broadcast %ge3A_212 : i32 to vector<16xi32>
      %ge3A_214 = arith.cmpi sge, %get3A_211, %ge3A_213 : vector<16xi32>
      %sub3A_215 = arith.constant 51200 : i32
      %sub3A_216 = vector.broadcast %sub3A_215 : i32 to vector<16xi32>
      %sub3A_217 = arith.subi %get3A_211, %sub3A_216 : vector<16xi32>
      %select_n3A_218 = arith.select %ge3A_214, %sub3A_217, %get3A_211 : vector<16xi1>, vector<16xi32>
      %gather3A_219 = tpu.vector_load_idx %arg5[%select_n3A_218] : memref<51200xi32, #tpu.memory_space<vmem>>[vector<16xi32>], vector<16xi32>,
      %and3A_220 = arith.constant -65536 : i32
      %and3A_221 = vector.broadcast %and3A_220 : i32 to vector<16xi32>
      %and3A_222 = arith.andi %gather3A_219, %and3A_221 : vector<16xi32>
      %shift_left3A_223 = arith.constant 16 : i32
      %shift_left3A_224 = vector.broadcast %shift_left3A_223 : i32 to vector<16xi32>
      %shift_left3A_225 = arith.shli %gather3A_219, %shift_left3A_224 : vector<16xi32>
      %select_n3A_226 = arith.select %ge3A_214, %and3A_222, %shift_left3A_225 : vector<16xi1>, vector<16xi32>
      %bitcast3A_227 = vector.bitcast %select_n3A_226 : vector<16xi32> to vector<16xf32>
      %add3A_228 = arith.addf %add3A_64, %bitcast3A_227 : vector<16xf32>
      %get3A_229 = arith.index_cast %add3A_208 : i32 to index
      %get3A_230 = arith.constant 16 : index
      %get3A_231 = tpu.vector_load %arg6[%get3A_229, %get3A_230] {strides = array<i32>} : memref<200x128xi32, #tpu.memory_space<vmem>>, vector<16xi32>,
      %ge3A_232 = arith.constant 51200 : i32
      %ge3A_233 = vector.broadcast %ge3A_232 : i32 to vector<16xi32>
      %ge3A_234 = arith.cmpi sge, %get3A_231, %ge3A_233 : vector<16xi32>
      %sub3A_235 = arith.constant 51200 : i32
      %sub3A_236 = vector.broadcast %sub3A_235 : i32 to vector<16xi32>
      %sub3A_237 = arith.subi %get3A_231, %sub3A_236 : vector<16xi32>
      %select_n3A_238 = arith.select %ge3A_234, %sub3A_237, %get3A_231 : vector<16xi1>, vector<16xi32>
      %gather3A_239 = tpu.vector_load_idx %arg5[%select_n3A_238] : memref<51200xi32, #tpu.memory_space<vmem>>[vector<16xi32>], vector<16xi32>,
      %and3A_240 = arith.constant -65536 : i32
      %and3A_241 = vector.broadcast %and3A_240 : i32 to vector<16xi32>
      %and3A_242 = arith.andi %gather3A_239, %and3A_241 : vector<16xi32>
      %shift_left3A_243 = arith.constant 16 : i32
      %shift_left3A_244 = vector.broadcast %shift_left3A_243 : i32 to vector<16xi32>
      %shift_left3A_245 = arith.shli %gather3A_239, %shift_left3A_244 : vector<16xi32>
      %select_n3A_246 = arith.select %ge3A_234, %and3A_242, %shift_left3A_245 : vector<16xi1>, vector<16xi32>
      %bitcast3A_247 = vector.bitcast %select_n3A_246 : vector<16xi32> to vector<16xf32>
      %add3A_248 = arith.addf %add3A_84, %bitcast3A_247 : vector<16xf32>
      %get3A_249 = arith.index_cast %add3A_208 : i32 to index
      %get3A_250 = arith.constant 32 : index
      %get3A_251 = tpu.vector_load %arg6[%get3A_249, %get3A_250] {strides = array<i32>} : memref<200x128xi32, #tpu.memory_space<vmem>>, vector<16xi32>,
      %ge3A_252 = arith.constant 51200 : i32
      %ge3A_253 = vector.broadcast %ge3A_252 : i32 to vector<16xi32>
      %ge3A_254 = arith.cmpi sge, %get3A_251, %ge3A_253 : vector<16xi32>
      %sub3A_255 = arith.constant 51200 : i32
      %sub3A_256 = vector.broadcast %sub3A_255 : i32 to vector<16xi32>
      %sub3A_257 = arith.subi %get3A_251, %sub3A_256 : vector<16xi32>
      %select_n3A_258 = arith.select %ge3A_254, %sub3A_257, %get3A_251 : vector<16xi1>, vector<16xi32>
      %gather3A_259 = tpu.vector_load_idx %arg5[%select_n3A_258] : memref<51200xi32, #tpu.memory_space<vmem>>[vector<16xi32>], vector<16xi32>,
      %and3A_260 = arith.constant -65536 : i32
      %and3A_261 = vector.broadcast %and3A_260 : i32 to vector<16xi32>
      %and3A_262 = arith.andi %gather3A_259, %and3A_261 : vector<16xi32>
      %shift_left3A_263 = arith.constant 16 : i32
      %shift_left3A_264 = vector.broadcast %shift_left3A_263 : i32 to vector<16xi32>
      %shift_left3A_265 = arith.shli %gather3A_259, %shift_left3A_264 : vector<16xi32>
      %select_n3A_266 = arith.select %ge3A_254, %and3A_262, %shift_left3A_265 : vector<16xi1>, vector<16xi32>
      %bitcast3A_267 = vector.bitcast %select_n3A_266 : vector<16xi32> to vector<16xf32>
      %add3A_268 = arith.addf %add3A_104, %bitcast3A_267 : vector<16xf32>
      %get3A_269 = arith.index_cast %add3A_208 : i32 to index
      %get3A_270 = arith.constant 48 : index
      %get3A_271 = tpu.vector_load %arg6[%get3A_269, %get3A_270] {strides = array<i32>} : memref<200x128xi32, #tpu.memory_space<vmem>>, vector<16xi32>,
      %ge3A_272 = arith.constant 51200 : i32
      %ge3A_273 = vector.broadcast %ge3A_272 : i32 to vector<16xi32>
      %ge3A_274 = arith.cmpi sge, %get3A_271, %ge3A_273 : vector<16xi32>
      %sub3A_275 = arith.constant 51200 : i32
      %sub3A_276 = vector.broadcast %sub3A_275 : i32 to vector<16xi32>
      %sub3A_277 = arith.subi %get3A_271, %sub3A_276 : vector<16xi32>
      %select_n3A_278 = arith.select %ge3A_274, %sub3A_277, %get3A_271 : vector<16xi1>, vector<16xi32>
      %gather3A_279 = tpu.vector_load_idx %arg5[%select_n3A_278] : memref<51200xi32, #tpu.memory_space<vmem>>[vector<16xi32>], vector<16xi32>,
      %and3A_280 = arith.constant -65536 : i32
      %and3A_281 = vector.broadcast %and3A_280 : i32 to vector<16xi32>
      %and3A_282 = arith.andi %gather3A_279, %and3A_281 : vector<16xi32>
      %shift_left3A_283 = arith.constant 16 : i32
      %shift_left3A_284 = vector.broadcast %shift_left3A_283 : i32 to vector<16xi32>
      %shift_left3A_285 = arith.shli %gather3A_279, %shift_left3A_284 : vector<16xi32>
      %select_n3A_286 = arith.select %ge3A_274, %and3A_282, %shift_left3A_285 : vector<16xi1>, vector<16xi32>
      %bitcast3A_287 = vector.bitcast %select_n3A_286 : vector<16xi32> to vector<16xf32>
      %add3A_288 = arith.addf %add3A_124, %bitcast3A_287 : vector<16xf32>
      %get3A_289 = arith.index_cast %add3A_208 : i32 to index
      %get3A_290 = arith.constant 64 : index
      %get3A_291 = tpu.vector_load %arg6[%get3A_289, %get3A_290] {strides = array<i32>} : memref<200x128xi32, #tpu.memory_space<vmem>>, vector<16xi32>,
      %ge3A_292 = arith.constant 51200 : i32
      %ge3A_293 = vector.broadcast %ge3A_292 : i32 to vector<16xi32>
      %ge3A_294 = arith.cmpi sge, %get3A_291, %ge3A_293 : vector<16xi32>
      %sub3A_295 = arith.constant 51200 : i32
      %sub3A_296 = vector.broadcast %sub3A_295 : i32 to vector<16xi32>
      %sub3A_297 = arith.subi %get3A_291, %sub3A_296 : vector<16xi32>
      %select_n3A_298 = arith.select %ge3A_294, %sub3A_297, %get3A_291 : vector<16xi1>, vector<16xi32>
      %gather3A_299 = tpu.vector_load_idx %arg5[%select_n3A_298] : memref<51200xi32, #tpu.memory_space<vmem>>[vector<16xi32>], vector<16xi32>,
      %and3A_300 = arith.constant -65536 : i32
      %and3A_301 = vector.broadcast %and3A_300 : i32 to vector<16xi32>
      %and3A_302 = arith.andi %gather3A_299, %and3A_301 : vector<16xi32>
      %shift_left3A_303 = arith.constant 16 : i32
      %shift_left3A_304 = vector.broadcast %shift_left3A_303 : i32 to vector<16xi32>
      %shift_left3A_305 = arith.shli %gather3A_299, %shift_left3A_304 : vector<16xi32>
      %select_n3A_306 = arith.select %ge3A_294, %and3A_302, %shift_left3A_305 : vector<16xi1>, vector<16xi32>
      %bitcast3A_307 = vector.bitcast %select_n3A_306 : vector<16xi32> to vector<16xf32>
      %add3A_308 = arith.addf %add3A_144, %bitcast3A_307 : vector<16xf32>
      %get3A_309 = arith.index_cast %add3A_208 : i32 to index
      %get3A_310 = arith.constant 80 : index
      %get3A_311 = tpu.vector_load %arg6[%get3A_309, %get3A_310] {strides = array<i32>} : memref<200x128xi32, #tpu.memory_space<vmem>>, vector<16xi32>,
      %ge3A_312 = arith.constant 51200 : i32
      %ge3A_313 = vector.broadcast %ge3A_312 : i32 to vector<16xi32>
      %ge3A_314 = arith.cmpi sge, %get3A_311, %ge3A_313 : vector<16xi32>
      %sub3A_315 = arith.constant 51200 : i32
      %sub3A_316 = vector.broadcast %sub3A_315 : i32 to vector<16xi32>
      %sub3A_317 = arith.subi %get3A_311, %sub3A_316 : vector<16xi32>
      %select_n3A_318 = arith.select %ge3A_314, %sub3A_317, %get3A_311 : vector<16xi1>, vector<16xi32>
      %gather3A_319 = tpu.vector_load_idx %arg5[%select_n3A_318] : memref<51200xi32, #tpu.memory_space<vmem>>[vector<16xi32>], vector<16xi32>,
      %and3A_320 = arith.constant -65536 : i32
      %and3A_321 = vector.broadcast %and3A_320 : i32 to vector<16xi32>
      %and3A_322 = arith.andi %gather3A_319, %and3A_321 : vector<16xi32>
      %shift_left3A_323 = arith.constant 16 : i32
      %shift_left3A_324 = vector.broadcast %shift_left3A_323 : i32 to vector<16xi32>
      %shift_left3A_325 = arith.shli %gather3A_319, %shift_left3A_324 : vector<16xi32>
      %select_n3A_326 = arith.select %ge3A_314, %and3A_322, %shift_left3A_325 : vector<16xi1>, vector<16xi32>
      %bitcast3A_327 = vector.bitcast %select_n3A_326 : vector<16xi32> to vector<16xf32>
      %add3A_328 = arith.addf %add3A_164, %bitcast3A_327 : vector<16xf32>
      %get3A_329 = arith.index_cast %add3A_208 : i32 to index
      %get3A_330 = arith.constant 96 : index
      %get3A_331 = tpu.vector_load %arg6[%get3A_329, %get3A_330] {strides = array<i32>} : memref<200x128xi32, #tpu.memory_space<vmem>>, vector<16xi32>,
      %ge3A_332 = arith.constant 51200 : i32
      %ge3A_333 = vector.broadcast %ge3A_332 : i32 to vector<16xi32>
      %ge3A_334 = arith.cmpi sge, %get3A_331, %ge3A_333 : vector<16xi32>
      %sub3A_335 = arith.constant 51200 : i32
      %sub3A_336 = vector.broadcast %sub3A_335 : i32 to vector<16xi32>
      %sub3A_337 = arith.subi %get3A_331, %sub3A_336 : vector<16xi32>
      %select_n3A_338 = arith.select %ge3A_334, %sub3A_337, %get3A_331 : vector<16xi1>, vector<16xi32>
      %gather3A_339 = tpu.vector_load_idx %arg5[%select_n3A_338] : memref<51200xi32, #tpu.memory_space<vmem>>[vector<16xi32>], vector<16xi32>,
      %and3A_340 = arith.constant -65536 : i32
      %and3A_341 = vector.broadcast %and3A_340 : i32 to vector<16xi32>
      %and3A_342 = arith.andi %gather3A_339, %and3A_341 : vector<16xi32>
      %shift_left3A_343 = arith.constant 16 : i32
      %shift_left3A_344 = vector.broadcast %shift_left3A_343 : i32 to vector<16xi32>
      %shift_left3A_345 = arith.shli %gather3A_339, %shift_left3A_344 : vector<16xi32>
      %select_n3A_346 = arith.select %ge3A_334, %and3A_342, %shift_left3A_345 : vector<16xi1>, vector<16xi32>
      %bitcast3A_347 = vector.bitcast %select_n3A_346 : vector<16xi32> to vector<16xf32>
      %add3A_348 = arith.addf %add3A_184, %bitcast3A_347 : vector<16xf32>
      %get3A_349 = arith.index_cast %add3A_208 : i32 to index
      %get3A_350 = arith.constant 112 : index
      %get3A_351 = tpu.vector_load %arg6[%get3A_349, %get3A_350] {strides = array<i32>} : memref<200x128xi32, #tpu.memory_space<vmem>>, vector<16xi32>,
      %ge3A_352 = arith.constant 51200 : i32
      %ge3A_353 = vector.broadcast %ge3A_352 : i32 to vector<16xi32>
      %ge3A_354 = arith.cmpi sge, %get3A_351, %ge3A_353 : vector<16xi32>
      %sub3A_355 = arith.constant 51200 : i32
      %sub3A_356 = vector.broadcast %sub3A_355 : i32 to vector<16xi32>
      %sub3A_357 = arith.subi %get3A_351, %sub3A_356 : vector<16xi32>
      %select_n3A_358 = arith.select %ge3A_354, %sub3A_357, %get3A_351 : vector<16xi1>, vector<16xi32>
      %gather3A_359 = tpu.vector_load_idx %arg5[%select_n3A_358] : memref<51200xi32, #tpu.memory_space<vmem>>[vector<16xi32>], vector<16xi32>,
      %and3A_360 = arith.constant -65536 : i32
      %and3A_361 = vector.broadcast %and3A_360 : i32 to vector<16xi32>
      %and3A_362 = arith.andi %gather3A_359, %and3A_361 : vector<16xi32>
      %shift_left3A_363 = arith.constant 16 : i32
      %shift_left3A_364 = vector.broadcast %shift_left3A_363 : i32 to vector<16xi32>
      %shift_left3A_365 = arith.shli %gather3A_359, %shift_left3A_364 : vector<16xi32>
      %select_n3A_366 = arith.select %ge3A_354, %and3A_362, %shift_left3A_365 : vector<16xi1>, vector<16xi32>
      %bitcast3A_367 = vector.bitcast %select_n3A_366 : vector<16xi32> to vector<16xf32>
      %add3A_368 = arith.addf %add3A_204, %bitcast3A_367 : vector<16xf32>
      scf.yield %add3A_228, %add3A_248, %add3A_268, %add3A_288, %add3A_308, %add3A_328, %add3A_348, %add3A_368 : vector<16xf32>, vector<16xf32>, vector<16xf32>, vector<16xf32>, vector<16xf32>, vector<16xf32>, vector<16xf32>, vector<16xf32>
    }
    %scan3A_22 = arith.constant 100 : i32
    %swap3A = arith.constant 0 : index
    %swap3A_23 = tpu.vector_load %arg7[%swap3A] {strides = array<i32>} : memref<128xf32, #tpu.memory_space<vmem>>, vector<16xf32>,
    tpu.vector_store %arg7[%swap3A], %scan3A_21#0 {strides = array<i32>} : memref<128xf32, #tpu.memory_space<vmem>>, vector<16xf32>,
    %swap3A_24 = arith.constant 16 : index
    %swap3A_25 = tpu.vector_load %arg7[%swap3A_24] {strides = array<i32>} : memref<128xf32, #tpu.memory_space<vmem>>, vector<16xf32>,
    tpu.vector_store %arg7[%swap3A_24], %scan3A_21#1 {strides = array<i32>} : memref<128xf32, #tpu.memory_space<vmem>>, vector<16xf32>,
    %swap3A_26 = arith.constant 32 : index
    %swap3A_27 = tpu.vector_load %arg7[%swap3A_26] {strides = array<i32>} : memref<128xf32, #tpu.memory_space<vmem>>, vector<16xf32>,
    tpu.vector_store %arg7[%swap3A_26], %scan3A_21#2 {strides = array<i32>} : memref<128xf32, #tpu.memory_space<vmem>>, vector<16xf32>,
    %swap3A_28 = arith.constant 48 : index
    %swap3A_29 = tpu.vector_load %arg7[%swap3A_28] {strides = array<i32>} : memref<128xf32, #tpu.memory_space<vmem>>, vector<16xf32>,
    tpu.vector_store %arg7[%swap3A_28], %scan3A_21#3 {strides = array<i32>} : memref<128xf32, #tpu.memory_space<vmem>>, vector<16xf32>,
    %swap3A_30 = arith.constant 64 : index
    %swap3A_31 = tpu.vector_load %arg7[%swap3A_30] {strides = array<i32>} : memref<128xf32, #tpu.memory_space<vmem>>, vector<16xf32>,
    tpu.vector_store %arg7[%swap3A_30], %scan3A_21#4 {strides = array<i32>} : memref<128xf32, #tpu.memory_space<vmem>>, vector<16xf32>,
    %swap3A_32 = arith.constant 80 : index
    %swap3A_33 = tpu.vector_load %arg7[%swap3A_32] {strides = array<i32>} : memref<128xf32, #tpu.memory_space<vmem>>, vector<16xf32>,
    tpu.vector_store %arg7[%swap3A_32], %scan3A_21#5 {strides = array<i32>} : memref<128xf32, #tpu.memory_space<vmem>>, vector<16xf32>,
    %swap3A_34 = arith.constant 96 : index
    %swap3A_35 = tpu.vector_load %arg7[%swap3A_34] {strides = array<i32>} : memref<128xf32, #tpu.memory_space<vmem>>, vector<16xf32>,
    tpu.vector_store %arg7[%swap3A_34], %scan3A_21#6 {strides = array<i32>} : memref<128xf32, #tpu.memory_space<vmem>>, vector<16xf32>,
    %swap3A_36 = arith.constant 112 : index
    %swap3A_37 = tpu.vector_load %arg7[%swap3A_36] {strides = array<i32>} : memref<128xf32, #tpu.memory_space<vmem>>, vector<16xf32>,
    tpu.vector_store %arg7[%swap3A_36], %scan3A_21#7 {strides = array<i32>} : memref<128xf32, #tpu.memory_space<vmem>>, vector<16xf32>,
    %mul3A_38 = arith.constant 128 : i32
    %mul3A_39 = arith.muli %add3A, %mul3A_38 : i32
    "tpu.region"() ({
      %run_scoped3A = tpu.sem_alloc : memref<!tpu.dma_semaphore, #tpu.memory_space<semaphore_mem>>
      %dma_start3A = tpu.memref_slice %arg4[%mul3A_39] : memref<4096xf32, #tpu.memory_space<hbm>> -> memref<128xf32, #tpu.memory_space<hbm>>
      %dma_start3A_40 = tpu.memref_slice %arg4[%mul3A_39] : memref<4096xf32, #tpu.memory_space<hbm>> -> memref<128xf32, #tpu.memory_space<hbm>>
      tpu.enqueue_dma source(%arg7 : memref<128xf32, #tpu.memory_space<vmem>>) target(%dma_start3A_40 : memref<128xf32, #tpu.memory_space<hbm>>) target_semaphore(%run_scoped3A : memref<!tpu.dma_semaphore, #tpu.memory_space<semaphore_mem>>)
      %dma_wait3A = tpu.memref_slice %arg4[%mul3A_39] : memref<4096xf32, #tpu.memory_space<hbm>> -> memref<128xf32, #tpu.memory_space<hbm>>
      %dma_wait3A_41 = tpu.memref_slice %arg4[%mul3A_39] : memref<4096xf32, #tpu.memory_space<hbm>> -> memref<128xf32, #tpu.memory_space<hbm>>
      tpu.wait_dma2 semaphore(%run_scoped3A : memref<!tpu.dma_semaphore, #tpu.memory_space<semaphore_mem>>) src(%arg7 : memref<128xf32, #tpu.memory_space<vmem>>) dst(%dma_wait3A_41 : memref<128xf32, #tpu.memory_space<hbm>>)
      tpu.yield
    }) : () -> ()
    return
  }
}

module attributes {stable_mosaic.version = 14 : i64} {
  func.func @body(%arg0: i32, %arg1: memref<6400x128xf32, #tpu.memory_space<vmem>>, %arg2: memref<6400x128xf32, #tpu.memory_space<vmem>>, %arg3: memref<1x128xf32, #tpu.memory_space<vmem>>, %arg4: memref<1xf32, #tpu.memory_space<smem>>, %arg5: memref<1x1x6400xi32, #tpu.memory_space<vmem>>) attributes {dimension_semantics = [#tpu.dimension_semantics<arbitrary>], iteration_bounds = array<i64: 8>, scalar_prefetch = 0 : i64, scratch_operands = 0 : i64, tpu.core_type = #tpu.core_type<tc>, window_params = [{transform_indices = @transform_0, window_bounds = array<i64: 6400, 128>}, {transform_indices = @transform_1, window_bounds = array<i64: 6400, 128>}, {pipeline_mode = #tpu.pipeline_mode<synchronous>, transform_indices = @transform_2, window_bounds = array<i64: 1, 128>}, {transform_indices = @transform_3, window_bounds = array<i64: 1>}, {transform_indices = @transform_4, window_bounds = array<i64: 1, 1, 6400>}]} {
    %get3A = arith.constant 0 : index
    %get3A_0 = arith.constant 0 : index
    %get3A_1 = vector.load %arg3[%get3A, %get3A_0] : memref<1x128xf32, #tpu.memory_space<vmem>>, vector<1x128xf32>
    %get3A_2 = arith.constant 0 : index
    %get3A_3 = arith.constant 0 : index
    %get3A_4 = vector.load %arg1[%get3A_2, %get3A_3] : memref<6400x128xf32, #tpu.memory_space<vmem>>, vector<6400x128xf32>
    %dot_general3A = arith.constant dense<0.000000e+00> : vector<1x6400xf32>
    %dot_general3A_5 = tpu.matmul %get3A_1, %get3A_4, %dot_general3A {dimension_numbers = #tpu.dot_dimension_numbers<[1], [1], [0], [0], [0, 0, 1, 0], [], []>, transpose_lhs_hint = false} : vector<1x128xf32>, vector<6400x128xf32>, vector<1x6400xf32> -> vector<1x6400xf32>
    %get3A_6 = arith.constant 0 : index
    %get3A_7 = arith.constant 0 : index
    %get3A_8 = vector.load %arg3[%get3A_6, %get3A_7] : memref<1x128xf32, #tpu.memory_space<vmem>>, vector<1x128xf32>
    %get3A_9 = arith.constant 0 : index
    %get3A_10 = arith.constant 0 : index
    %get3A_11 = vector.load %arg2[%get3A_9, %get3A_10] : memref<6400x128xf32, #tpu.memory_space<vmem>>, vector<6400x128xf32>
    %dot_general3A_12 = arith.constant dense<0.000000e+00> : vector<1x6400xf32>
    %dot_general3A_13 = tpu.matmul %get3A_8, %get3A_11, %dot_general3A_12 {dimension_numbers = #tpu.dot_dimension_numbers<[1], [1], [0], [0], [0, 0, 1, 0], [], []>, transpose_lhs_hint = false} : vector<1x128xf32>, vector<6400x128xf32>, vector<1x6400xf32> -> vector<1x6400xf32>
    %mul3A = arith.constant 5.000000e-03 : f32
    %mul3A_14 = vector.broadcast %mul3A : f32 to vector<1x6400xf32>
    %mul3A_15 = arith.mulf %dot_general3A_5, %mul3A_14 : vector<1x6400xf32>
    %get3A_16 = arith.constant 0 : index
    %get3A_17 = memref.load %arg4[%get3A_16] : memref<1xf32, #tpu.memory_space<smem>>
    %mul3A_18 = arith.constant 5.000000e-03 : f32
    %mul3A_19 = arith.mulf %get3A_17, %mul3A_18 : f32
    %add3A = vector.broadcast %mul3A_19 : f32 to vector<1x6400xf32>
    %add3A_20 = arith.addf %mul3A_15, %add3A : vector<1x6400xf32>
    %mul3A_21 = arith.constant 5.000000e-03 : f32
    %mul3A_22 = vector.broadcast %mul3A_21 : f32 to vector<1x6400xf32>
    %mul3A_23 = arith.mulf %dot_general3A_13, %mul3A_22 : vector<1x6400xf32>
    %get3A_24 = arith.constant 0 : index
    %get3A_25 = memref.load %arg4[%get3A_24] : memref<1xf32, #tpu.memory_space<smem>>
    %mul3A_26 = arith.constant 5.000000e-03 : f32
    %mul3A_27 = arith.mulf %get3A_25, %mul3A_26 : f32
    %add3A_28 = vector.broadcast %mul3A_27 : f32 to vector<1x6400xf32>
    %add3A_29 = arith.addf %mul3A_23, %add3A_28 : vector<1x6400xf32>
    %bitcast_convert_type3A = tpu.bitcast %add3A_20 : vector<1x6400xf32> -> vector<1x6400xi32>
    %shift_right_logical3A = arith.constant 16 : i32
    %shift_right_logical3A_30 = vector.broadcast %shift_right_logical3A : i32 to vector<1x6400xi32>
    %shift_right_logical3A_31 = arith.shrui %bitcast_convert_type3A, %shift_right_logical3A_30 : vector<1x6400xi32>
    %and3A = arith.constant 1 : i32
    %and3A_32 = vector.broadcast %and3A : i32 to vector<1x6400xi32>
    %and3A_33 = arith.andi %shift_right_logical3A_31, %and3A_32 : vector<1x6400xi32>
    %add3A_34 = arith.constant 32767 : i32
    %add3A_35 = vector.broadcast %add3A_34 : i32 to vector<1x6400xi32>
    %add3A_36 = arith.addi %bitcast_convert_type3A, %add3A_35 : vector<1x6400xi32>
    %add3A_37 = arith.addi %add3A_36, %and3A_33 : vector<1x6400xi32>
    %shift_right_logical3A_38 = arith.constant 16 : i32
    %shift_right_logical3A_39 = vector.broadcast %shift_right_logical3A_38 : i32 to vector<1x6400xi32>
    %shift_right_logical3A_40 = arith.shrui %add3A_37, %shift_right_logical3A_39 : vector<1x6400xi32>
    %bitcast_convert_type3A_41 = tpu.bitcast %add3A_29 : vector<1x6400xf32> -> vector<1x6400xi32>
    %shift_right_logical3A_42 = arith.constant 16 : i32
    %shift_right_logical3A_43 = vector.broadcast %shift_right_logical3A_42 : i32 to vector<1x6400xi32>
    %shift_right_logical3A_44 = arith.shrui %bitcast_convert_type3A_41, %shift_right_logical3A_43 : vector<1x6400xi32>
    %and3A_45 = arith.constant 1 : i32
    %and3A_46 = vector.broadcast %and3A_45 : i32 to vector<1x6400xi32>
    %and3A_47 = arith.andi %shift_right_logical3A_44, %and3A_46 : vector<1x6400xi32>
    %add3A_48 = arith.constant 32767 : i32
    %add3A_49 = vector.broadcast %add3A_48 : i32 to vector<1x6400xi32>
    %add3A_50 = arith.addi %bitcast_convert_type3A_41, %add3A_49 : vector<1x6400xi32>
    %add3A_51 = arith.addi %add3A_50, %and3A_47 : vector<1x6400xi32>
    %shift_right_logical3A_52 = arith.constant 16 : i32
    %shift_right_logical3A_53 = vector.broadcast %shift_right_logical3A_52 : i32 to vector<1x6400xi32>
    %shift_right_logical3A_54 = arith.shrui %add3A_51, %shift_right_logical3A_53 : vector<1x6400xi32>
    %shift_left3A = arith.constant 16 : i32
    %shift_left3A_55 = vector.broadcast %shift_left3A : i32 to vector<1x6400xi32>
    %shift_left3A_56 = arith.shli %shift_right_logical3A_54, %shift_left3A_55 : vector<1x6400xi32>
    %or3A = arith.ori %shift_right_logical3A_40, %shift_left3A_56 : vector<1x6400xi32>
    %swap3A = arith.constant 0 : index
    %swap3A_57 = arith.constant 0 : index
    %swap3A_58 = arith.constant 0 : index
    %swap3A_59 = vector.load %arg5[%swap3A, %swap3A_57, %swap3A_58] : memref<1x1x6400xi32, #tpu.memory_space<vmem>>, vector<1x1x6400xi32>
    %swap3A_60 = vector.shape_cast %swap3A_59 : vector<1x1x6400xi32> to vector<1x6400xi32>
    %swap3A_61 = vector.shape_cast %or3A : vector<1x6400xi32> to vector<1x1x6400xi32>
    tpu.vector_store %arg5[%swap3A, %swap3A_57, %swap3A_58], %swap3A_61 {strides = array<i32>} : memref<1x1x6400xi32, #tpu.memory_space<vmem>>, vector<1x1x6400xi32>,
    return
  }
  func.func @transform_0(%arg0: i32) -> (i32, i32) {
    %c0_i32 = arith.constant 0 : i32
    %c0_i32_0 = arith.constant 0 : i32
    return %arg0, %c0_i32 : i32, i32
  }
  func.func @transform_1(%arg0: i32) -> (i32, i32) {
    %add3A = arith.constant 8 : i32
    %add3A_0 = arith.addi %arg0, %add3A : i32
    %c0_i32 = arith.constant 0 : i32
    %c0_i32_1 = arith.constant 0 : i32
    return %add3A_0, %c0_i32 : i32, i32
  }
  func.func @transform_2(%arg0: i32) -> (i32, i32) {
    %c0_i32 = arith.constant 0 : i32
    %c0_i32_0 = arith.constant 0 : i32
    %c0_i32_1 = arith.constant 0 : i32
    return %c0_i32, %c0_i32_0 : i32, i32
  }
  func.func @transform_3(%arg0: i32) -> i32 {
    %c0_i32 = arith.constant 0 : i32
    %c0_i32_0 = arith.constant 0 : i32
    return %c0_i32 : i32
  }
  func.func @transform_4(%arg0: i32) -> (i32, i32, i32) {
    %c0_i32 = arith.constant 0 : i32
    %c0_i32_0 = arith.constant 0 : i32
    %c0_i32_1 = arith.constant 0 : i32
    return %arg0, %c0_i32, %c0_i32_0 : i32, i32, i32
  }
}

</mosaic_0001>

<sc_bundles>
// kernel: kernel.4.cloned.1.call-start
scs
__scs_entry_jumppad:
0x0: {  	(pc) =	sbr.rel $0x88, $3  }
0x1: {  	(tag) =	ssettag $0x0;
	lr =	simm.s32 $0x1  }
0x2: {  	[smem:$0x3F9D] =	sst lr;
	_ =	strace $0xD0000000  }
0x3: {  	_ = 	snop  }
0x4: {  	_ = 	snop  }
0x5: {  	_ = 	snop  }
0x6: {  	_ = 	snop  }
0x7: {  	_ = 	snop  }
__scs_overlays_trampoline_lowered:
0x8: {  	[smem:$0x3FAC] =	sst s0  }
0x9: {  	[smem:$0x3FAD] =	sst s1  }
0xa: {  	[smem:$0x3FAE] =	sst s2  }
0xb: {  	[smem:$0x3FAF] =	sst s3  }
0xc: {  	[smem:$0x3FB0] =	sst s4  }
0xd: {  	[smem:$0x3FB1] =	sst s5  }
0xe: {  	[smem:$0x3FB2] =	sst s6  }
0xf: {  	[smem:$0x3FB3] =	sst s7  }
0x10: {  	[smem:$0x3FB4] =	sst s8  }
0x11: {  	[smem:$0x3FB5] =	sst s9;
	s0 =	simm.s32 @!p0 $0x0  }
0x12: {  	s1 =	sld [smem:$0x3F9B];
	s0 =	simm.s32 @p0 $0x1  }
0x13: {  	[smem:$0x3FB6] =	sst s0;
	s0 =	simm.s32 @!p1 $0x0  }
0x14: {  	s2 =	sld [smem:$0x3F9A];
	s0 =	simm.s32 @p1 $0x1  }
0x15: {  	[smem:$0x3FB7] =	sst s0;
	s0 =	simm.s32 @!p2 $0x0  }
0x16: {  	s3 =	sld [smem:$0x3FDB];
	s0 =	simm.s32 @p2 $0x1  }
0x17: {  	s4 =	simm.s32 $0x1BF5;
	[smem:$0x3FB9] =	sst s0  }
0x18: {  	s0 =	sld [smem:$0x3F9C];
	_ =	swait.ge [sflag:s4], $0x0  }
0x19: {  	s7 =	sld [smem:$0x3F9D]  }
0x1a: {  	s8 =	sadd.s32 $0xFFFFE003, lr  }
0x1b: {  	s9 =	sadd.s32 $0xFFFFFEF7, lr;
	s5 =	simm.s32 $0xFFFFFFFF;
	p2 =	slt.u32 s8, $0xFFFFF086  }
0x1c: {  	p1 =	slt.u32 s9, $0xF7A;
	s5 =	simm.s32 @!p2 $0x0  }
0x1d: {  	s5 =	simm.s32 @p1 $0x1;
	p0 =	seq.s32 s7, s2  }
0x1e: {  	s7 =	smul.u32 @!p0 $0xF7A, s2;
	p2 =	seq.s32 @!p0 s5, $0x0  }
0x1f: {  	s9 =	smul.u32 $0xF7A, s1;
	s8 =	simm.s32 @!p0 $0x1BF5;
	p2 =	por !p2, p0  }
0x20: {  	[sflag:s8] =	ssyncset.s32 @!p0 $0xFFFFF086;
	s6 =	sadd.s32 @!p0 s3, s7;
	s7 =	simm.s32 @!p0 $0x108  }
0x21: {  	s3 =	sadd.s32 s3, s9;
	s6 =	sadd.s32 @!p0 $0x88, s6;
	s7 =	simm.s32 @p2 $0x1082  }
0x22: {  	[simem:s7], [sflag:s8] =	dma.local @!p0 [hbm:s6], $0xF7A  }
0x23: {  	s9 =	sor.u32 $0xD0000000, s2;
	s6 =	simm.s32 $0x108;
	_ =	swait.ge @!p0 [sflag:s8], $0x0  }
0x24: {  	s3 =	sadd.s32 $0x88, s3;
	s6 =	simm.s32 @!p1 $0x1082;
	[sflag:s4] =	ssyncset.s32 $0xFFFFF086  }
0x25: {  	[simem:s6], [sflag:s4] =	dma.local [hbm:s3], $0xF7A  }
0x26: {  	[smem:$0x3F9D] =	sst s1;
	(tag) =	ssettag s2;
	_ =	strace s9  }
0x27: {  	s1 =	sld [smem:$0x3FAD]  }
0x28: {  	s2 =	sld [smem:$0x3FAE]  }
0x29: {  	s4 =	sld [smem:$0x3FB0]  }
0x2a: {  	p0 =	seq.s32 s5, $0x0;
	s5 =	sld [smem:$0x3FB1]  }
0x2b: {  	s6 =	sld [smem:$0x3FB2]  }
0x2c: {  	s7 =	sld [smem:$0x3FB3]  }
0x2d: {  	s3 =	simm.s32 $0x108;
	s8 =	sld [smem:$0x3FB4]  }
0x2e: {  	s3 =	simm.s32 @!p0 $0x1082;
	s9 =	sld [smem:$0x3FB5]  }
0x2f: {  	lr =	sadd.s32 s0, s3;
	s0 =	sld [smem:$0x3FAC]  }
0x30: {  	s3 =	sld [smem:$0x3FAF]  }
0x31: {  	[smem:$0x3FB8] =	sst s10  }
0x32: {  	s10 =	sld [smem:$0x3FB6];
	_ =	sdelay $0x3  }
0x33: {  	p0 =	seq.s32 s10, $0x1;
	s10 =	sld [smem:$0x3FB8];
	_ =	sdelay $0x3  }
0x34: {  	[smem:$0x3FB8] =	sst s10  }
0x35: {  	s10 =	sld [smem:$0x3FB7];
	_ =	sdelay $0x3  }
0x36: {  	p1 =	seq.s32 s10, $0x1;
	s10 =	sld [smem:$0x3FB8];
	_ =	sdelay $0x3  }
0x37: {  	[smem:$0x3FB8] =	sst s10  }
0x38: {  	s10 =	sld [smem:$0x3FB9]  }
0x39: {  	_ = 	snop;
	(pc) =	sbr.ind lr, $3  }
0x3a: {  	_ = 	snop  }
0x3b: {  	_ = 	snop  }
0x3c: {  	p2 =	seq.s32 s10, $0x1;
	s10 =	sld [smem:$0x3FB8]  }
0x3d: {  	_ =	shalt  }
0x3e: {  	_ =	shalt  }
0x3f: {  	_ =	shalt  }
0x40: {  	_ =	shalt  }
0x41: {  	_ =	shalt  }
0x42: {  	_ =	shalt  }
0x43: {  	_ =	shalt  }
0x44: {  	_ =	shalt  }
0x45: {  	_ =	shalt  }
0x46: {  	_ =	shalt  }
0x47: {  	_ =	shalt  }
0x48: {  	_ =	shalt  }
0x49: {  	_ =	shalt  }
0x4a: {  	_ =	shalt  }
0x4b: {  	_ =	shalt  }
0x4c: {  	_ =	shalt  }
0x4d: {  	_ =	shalt  }
0x4e: {  	_ =	shalt  }
0x4f: {  	_ =	shalt  }
0x50: {  	_ =	shalt  }
0x51: {  	_ =	shalt  }
0x52: {  	_ =	shalt  }
0x53: {  	_ =	shalt  }
0x54: {  	_ =	shalt  }
0x55: {  	_ =	shalt  }
0x56: {  	_ =	shalt  }
0x57: {  	_ =	shalt  }
0x58: {  	_ =	shalt  }
0x59: {  	_ =	shalt  }
0x5a: {  	_ =	shalt  }
0x5b: {  	_ =	shalt  }
0x5c: {  	_ =	shalt  }
0x5d: {  	_ =	shalt  }
0x5e: {  	_ =	shalt  }
0x5f: {  	_ =	shalt  }
0x60: {  	_ =	shalt  }
0x61: {  	_ =	shalt  }
0x62: {  	_ =	shalt  }
0x63: {  	_ =	shalt  }
0x64: {  	_ =	shalt  }
0x65: {  	_ =	shalt  }
0x66: {  	_ =	shalt  }
0x67: {  	_ =	shalt  }
0x68: {  	_ =	shalt  }
0x69: {  	_ =	shalt  }
0x6a: {  	_ =	shalt  }
0x6b: {  	_ =	shalt  }
0x6c: {  	_ =	shalt  }
0x6d: {  	_ =	shalt  }
0x6e: {  	_ =	shalt  }
0x6f: {  	_ =	shalt  }
0x70: {  	_ =	shalt  }
0x71: {  	_ =	shalt  }
0x72: {  	_ =	shalt  }
0x73: {  	_ =	shalt  }
0x74: {  	_ =	shalt  }
0x75: {  	_ =	shalt  }
0x76: {  	_ =	shalt  }
0x77: {  	_ =	shalt  }
0x78: {  	_ =	shalt  }
0x79: {  	_ =	shalt  }
0x7a: {  	_ =	shalt  }
0x7b: {  	_ =	shalt  }
0x7c: {  	_ =	shalt  }
0x7d: {  	_ =	shalt  }
0x7e: {  	_ =	shalt  }
0x7f: {  	_ =	shalt  }
0x80: {  	_ =	shalt  }
0x81: {  	_ =	shalt  }
0x82: {  	_ =	shalt  }
0x83: {  	_ =	shalt  }
0x84: {  	_ =	shalt  }
0x85: {  	_ =	shalt  }
0x86: {  	_ =	shalt  }
0x87: {  	_ =	shalt  }
.Lfunc_end0:
.L_simem_size_0:
called_computation_lowered:
.L_overlay_start_0:
0x88: {  	s2 =	sld [smem:$0x3FD9]  }
0x89: {  	s3 =	sld [smem:$0x3FFE];
	_ =	sdelay $0x1  }
0x8a: {  	s1 =	srdreg.scid  }
0x8b: {  	s0 =	sand.u32 $0x1, s1  }
0x8c: {  	s17 =	sshll.u32 s0, $0xA;
	s2 =	sadd.s32 s3, s2  }
0x8d: {  	s2 =	sadd.s32 s2, s17  }
0x8e: {  	[smem:$0x3FC4] =	sst s2  }
0x8f: {  	_ = 	snop  }
0x90: {  	s2 =	sld [smem:$0x3FC9]  }
0x91: {  	s18 =	sld [smem:$0x3FD0];
	(tm) =	ssettm $0x1  }
0x92: {  	s4 =	sld [smem:$0x3FFB];
	_ =	sdelay $0x3  }
0x93: {  	_ =	strace s4  }
0x94: {  	s4 =	sld [smem:$0x3FFC];
	_ =	sdelay $0x3  }
0x95: {  	_ =	strace s4  }
0x96: {  	s4 =	sld [smem:$0x3FFD];
	_ =	sdelay $0x3  }
0x97: {  	_ =	strace s4  }
0x98: {  	_ =	strace $0x8FFFFFFF  }
0x99: {  	s19 =	sld [smem:$0x3FDB];
	_ =	sdelay $0x1  }
0x9a: {  	s5 =	simm.s32 $_scs_section_size  }
0x9b: {  	s6 =	simm.s32 $_size__tile_overlayer_lowered;
	s7 =	simm.s32 $_tile_overlayer_lowered  }
0x9c: {  	s22 =	simm.s32 $0x1BFF;
	s21 =	sshll.u32 s7, $0x1;
	s4 =	sadd.s32 s5, s19  }
0x9d: {  	s8 =	simm.s32 $0x0;
	s20 =	sshll.u32 s6, $0x1;
	s6 =	sadd.s32 s21, s4  }
0x9e: {  	[timem:s8], [sflag:s22] =	dma.local [hbm:s6], s20  }
0x9f: {  	_ =	swait.ge [sflag:s22], s20  }
0xa0: {  	s5 =	ssub.s32 $0x0, s20;
	[sflag:s22] =	ssyncset.done $0x0  }
0xa1: {  	[sflag:s22] =	ssyncadd.s32 s5;
	_ =	sdelay $0x1  }
0xa2: {  	s23 =	simm.s32 $0x1B8B  }
0xa3: {  	_ =	swait.ge [sflag:s23], $0x1  }
0xa4: {  	[sflag:s23] =	ssyncset.done $0x0  }
0xa5: {  	s25 =	simm.s32 $0x1B8E;
	s24 =	sld [smem:$0x3FFE];
	[sflag:s23] =	ssyncadd.s32 $0xFFFFFFFF  }
0xa6: {  	s26 =	simm.s32 $execute0_lowered;
	[smem:$0x3FD2] =	sst s25  }
0xa7: {  	s6 =	sshll.u32 s26, $0x1;
	_ =	strace $0x80000046;
	[dreg:$0x1] =	wrdreg $0xFFFFFFFF  }
0xa8: {  	s28 =	simm.s32 $_size_execute0_lowered;
	s4 =	sadd.s32 s4, s6;
	[dreg:$0x0] =	wrdreg $0x0  }
0xa9: {  	s6 =	sshll.u32 s28, $0x1;
	[dreg:$0x2] =	wrdreg s4  }
0xaa: {  	[dreg:$0x3] =	wrdreg s6  }
0xab: {  	[dreg:$0x4] =	wrdreg $0xC0  }
0xac: {  	_ =	task [dreg:s8], $0x5FFFF  }
0xad: {  	[dreg:$0x1] =	wrdreg $0xFFFFFFFF  }
0xae: {  	[dreg:$0x0] =	wrdreg $0x60  }
0xaf: {  	[dreg:$0x2] =	wrdreg s24  }
0xb0: {  	[dreg:$0x3] =	wrdreg s2  }
0xb1: {  	[dreg:$0x4] =	wrdreg s18  }
0xb2: {  	[dreg:$0x5] =	wrdreg $0x9  }
0xb3: {  	_ =	task.clear_ibuf [dreg:s8], $0x6FFFF;
	_ =	strace $0x90000046  }
0xb4: {  	s29 =	simm.s32 $0x9;
	_ =	strace $0x80000048  }
0xb5: {  	_ =	swait.ge [sflag:s29], $0x1  }
0xb6: {  	[sflag:s29] =	ssyncadd.s32 $0xFFFFFFFF  }
0xb7: {  	_ =	strace $0x90000048  }
0xb8: {  	_ =	sfence  }
0xb9: {  	s30 =	sld [smem:$0x0];
	_ =	sdelay $0x2  }
0xba: {  	s31 =	sshll.u32 s1, $0xD;
	s1 =	sshrl.u32 s1, $0x2  }
0xbb: {  	s3 =	sand.u32 $0x4000, s31;
	s1 =	sadd.s32 s1, s30  }
0xbc: {  	s0 =	sor.u32 s3, s0;
	s1 =	sshll.u32 s1, $0x11  }
0xbd: {  	s0 =	sor.u32 s1, s0  }
0xbe: {  	s0 =	sadd.s32 $0x8F2B, s0  }
0xbf: {  	[sflag:s0] =	ssyncadd.remote.s32 $0x1  }
0xc0: {  	_ =	sfence.sel $0xFFFF  }
0xc1: {  	[dreg:$0x0] =	wrdreg $0xFFFFFFFF;
	(pc) =	sbr.abs _section_cstart, $3  }
0xc2: {  	[dreg:$0x1] =	wrdreg $0xFFFFFFFF  }
0xc3: {  	_ =	task.clear_ibuf [dreg:s8], $0x2FFFF;
	_ =	strace $0x9FFFFFFF  }
0xc4: {  	(tm) =	ssettm $0x7FFFFFFF  }
0xc5: {  	_ =	shalt  }
tec
execute0_lowered:
.L_overlay_start_1:
0x0: {  	(tag) =	ssettag $0x1  }
0x1: {  	s3 =	rddreg [dreg:$0x0]  }
0x2: {  	s4 =	rddreg [dreg:$0x1]  }
0x3: {  	s5 =	rddreg [dreg:$0x2]  }
0x4: {  	s0 =	rddreg [dreg:$0x3]  }
0x5: {  	s2 =	simm.s32 $0x0;
	s6 =	srdreg.scid;
	s1 =	stileid.u32  }
0x6: {  	s10 =	simm.s32 $0x2;
	s11 =	simm.s32 $0x1;
	s12 =	simm.s32 $0x12C00  }
0x7: {  	s13 =	simm.s32 $0x0;
	[smem:$0x7FF] =	sst s2;
	s6 =	sand.u32 $0x1, s6  }
0x8: {  	s7 =	sshll.u32 s1, $0x1;
	s3 =	sadd.s32 $0x800, s3;
	s8 =	ssub.s32 $0x2, s6  }
0x9: {  	_ =	strace $0x80000047;
	s6 =	sor.u32 s6, s7;
	s31 =	sshrl.u32 s8, $0x1  }
0xa: {  	s9 =	sshll.u32 s6, $0x7;
	s6 =	sshll.u32 s6, $0x4;
	s7 =	ssub.s32 s8, s31  }
0xb: {  	s4 =	sadd.s32 s4, s9;
	s5 =	sadd.s32 s5, s6;
	s8 =	simm.s32 $0x8000  }
0xc: {  	s9 =	simm.s32 $0xC800;
	s6 =	smax.u32 s7, $0x1;
	s7 =	simm.s32 $0x400  }
.LBB2_1:
0xd: {  	[tilespmem:s2], [sflag:$0x1] =	stream.linear.gather [hbm4b:s3+s2], $0xC800, $0x38;
	[tilespmem:$0x12C80] =	vst v63  }
0xe: {  	_ = 	snop  }
0xf: {  	[tilespmem:s9], [sflag:$0x2] =	stream.strided.gather [hbm4b:s4+s7], $0x6400, s8, s7, $0x38;
	[tilespmem:$0x12C80] =	vst v63  }
0x10: {  	_ =	swait.ge [sflag:s10], $0x6400  }
0x11: {  	[sflag:s10] =	ssyncset.done $0x0  }
0x12: {  	[sflag:s10] =	ssyncadd.s32 $0xFFFF9C00  }
0x13: {  	_ =	swait.ge [sflag:s11], $0xC800  }
0x14: {  	[sflag:s11] =	ssyncset.done $0x0  }
0x15: {  	s14 =	simm.s32 $0x0;
	[sflag:s11] =	ssyncadd.s32 $0xFFFF3800  }
0x16: {  	v1 =	vld [tilespmem:s14+$0xC880]  }
0x17: {  	v2 =	vld [tilespmem:s14+$0xC890]  }
0x18: {  	v3 =	vld [tilespmem:s14+$0xC870]  }
0x19: {  	v4 =	vld [tilespmem:s14+$0xC8A0]  }
0x1a: {  	v5 =	vld [tilespmem:s14+$0xC8C0]  }
0x1b: {  	v6 =	vld [tilespmem:s14+$0xC850]  }
0x1c: {  	v7 =	vld [tilespmem:s14+$0xC800]  }
0x1d: {  	v8 =	vld [tilespmem:s14+$0xC840]  }
0x1e: {  	v10 =	vld [tilespmem:s14+$0xC820]  }
0x1f: {  	v11 =	vld [tilespmem:s14+$0xC810]  }
0x20: {  	v0 =	vimm.f32 $0.0e+00;
	v13 =	vld [tilespmem:s14+$0xC8E0];
	vm9 =	vgt.s32 v1, $0xC7FF  }
0x21: {  	v15 =	vld [tilespmem:s14+$0xC860];
	vm8 =	vgt.s32 v2, $0xC7FF;
	vm10 =	vgt.s32 v4, $0xC7FF;
	v9 =	vadd.s32 $0xFFFF3800, v4  }
0x22: {  	vm11 =	vgt.s32 v5, $0xC7FF;
	vm12 =	vgt.s32 v6, $0xC7FF;
	v12 =	vadd.s32 $0xFFFF3800, v6  }
0x23: {  	v16 =	vld [tilespmem:s14+$0xC8B0];
	vm13 =	vgt.s32 v3, $0xC7FF;
	v14 =	vadd.s32 $0xFFFF3800, v1;
	vm1 =	vgt.s32 v7, $0xC7FF  }
0x24: {  	vm15 =	vgt.s32 v10, $0xC7FF;
	v17 =	vadd.s32 $0xFFFF3800, v2;
	v4 =	vsel vm10, v9, v4  }
0x25: {  	vm4 =	vgt.s32 v11, $0xC7FF;
	vm14 =	vgt.s32 v8, $0xC7FF;
	v6 =	vsel vm12, v12, v6  }
0x26: {  	vm0 =	vgt.s32 v13, $0xC7FF;
	vm2 =	vgt.s32 v15, $0xC7FF;
	v1 =	vsel vm9, v14, v1;
	v14 =	vld [tilespmem:s14+$0xC830]  }
0x27: {  	v18 =	vadd.s32 $0xFFFF3800, v15;
	v9 =	vadd.s32 $0xFFFF3800, v5;
	v2 =	vsel vm8, v17, v2;
	v17 =	vld [tilespmem:s14+$0xC8D0]  }
0x28: {  	v19 =	vadd.s32 $0xFFFF3800, v16;
	v12 =	vadd.s32 $0xFFFF3800, v3;
	v5 =	vsel vm11, v9, v5;
	v9 =	vld [tilespmem:s14+$0xC8F0]  }
0x29: {  	v20 =	vadd.s32 $0xFFFF3800, v11;
	v21 =	vadd.s32 $0xFFFF3800, v7;
	v3 =	vsel vm13, v12, v3;
	v4 =	vld.idx.msk [tilespmem:v4+s2+$0x0], $0xffff  }
0x2a: {  	vm6 =	vgt.s32 v16, $0xC7FF;
	v11 =	vsel vm4, v20, v11;
	v12 =	vadd.s32 $0xFFFF3800, v10;
	v6 =	vld.idx.msk [tilespmem:v6+s2+$0x0], $0xffff  }
0x2b: {  	v15 =	vsel vm2, v18, v15;
	v10 =	vsel vm15, v12, v10;
	v12 =	vadd.s32 $0xFFFF3800, v8;
	v1 =	vld.idx.msk [tilespmem:v1+s2+$0x0], $0xffff  }
0x2c: {  	v7 =	vsel vm1, v21, v7;
	v8 =	vsel vm14, v12, v8;
	v12 =	vadd.s32 $0xFFFF3800, v13;
	v2 =	vld.idx.msk [tilespmem:v2+s2+$0x0], $0xffff  }
0x2d: {  	v12 =	vsel vm0, v12, v13;
	vm5 =	vgt.s32 v14, $0xC7FF;
	v20 =	vadd.s32 $0xFFFF3800, v14;
	v5 =	vld.idx.msk [tilespmem:v5+s2+$0x0], $0xffff  }
0x2e: {  	vm7 =	vgt.s32 v17, $0xC7FF;
	vm3 =	vgt.s32 v9, $0xC7FF;
	v18 =	vadd.s32 $0xFFFF3800, v9;
	v3 =	vld.idx.msk [tilespmem:v3+s2+$0x0], $0xffff  }
0x2f: {  	v24 =	vld.idx.msk [tilespmem:v11+s2+$0x0], $0xffff;
	v23 =	vsel vm3, v18, v9;
	v9 =	vsel vm6, v19, v16;
	v16 =	vadd.s32 $0xFFFF3800, v17  }
0x30: {  	v14 =	vsel vm5, v20, v14;
	v10 =	vld.idx.msk [tilespmem:v10+s2+$0x0], $0xffff;
	v20 =	vsel vm7, v16, v17;
	v22 =	vand.u32 $0xFFFF0000, v4  }
0x31: {  	v4 =	vshll.u32 v4, $0x10;
	v18 =	vand.u32 $0xFFFF0000, v6;
	v6 =	vshll.u32 v6, $0x10  }
0x32: {  	v21 =	vld.idx.msk [tilespmem:v15+s2+$0x0], $0xffff;
	v15 =	vshll.u32 v1, $0x10;
	v1 =	vand.u32 $0xFFFF0000, v1;
	v17 =	vand.u32 $0xFFFF0000, v5  }
0x33: {  	v8 =	vld.idx.msk [tilespmem:v8+s2+$0x0], $0xffff;
	v16 =	vand.u32 $0xFFFF0000, v3;
	v3 =	vshll.u32 v3, $0x10;
	v5 =	vshll.u32 v5, $0x10  }
0x34: {  	v4 =	vsel vm10, v22, v4;
	v18 =	vsel vm12, v18, v6;
	v6 =	vand.u32 $0xFFFF0000, v2  }
0x35: {  	v2 =	vshll.u32 v2, $0x10;
	v22 =	vshll.u32 v24, $0x10;
	v11 =	vand.u32 $0xFFFF0000, v10  }
0x36: {  	v10 =	vshll.u32 v10, $0x10;
	v9 =	vld.idx.msk [tilespmem:v9+s2+$0x0], $0xffff;
	v3 =	vsel vm13, v16, v3;
	v5 =	vsel vm11, v17, v5  }
0x37: {  	v16 =	vld.idx.msk [tilespmem:v7+s2+$0x0], $0xffff;
	v17 =	vsel vm8, v6, v2;
	v6 =	vimm.f32 $0.0e+00;
	v10 =	vsel vm15, v11, v10  }
0x38: {  	v13 =	vand.u32 $0xFFFF0000, v8;
	v11 =	vld.idx.msk [tilespmem:v14+s2+$0x0], $0xffff;
	v7 =	vshll.u32 v8, $0x10;
	v8 =	vsel vm9, v1, v15  }
0x39: {  	v15 =	vld.idx.msk [tilespmem:v23+s2+$0x0], $0xffff;
	v14 =	vand.u32 $0xFFFF0000, v21;
	v19 =	vadd.f32 v10, v0;
	v7 =	vsel vm14, v13, v7  }
0x3a: {  	v20 =	vld.idx.msk [tilespmem:v20+s2+$0x0], $0xffff;
	v23 =	vand.u32 $0xFFFF0000, v24;
	v10 =	vshll.u32 v21, $0x10;
	v2 =	vadd.f32 v7, v0  }
0x3b: {  	v7 =	vadd.f32 v3, v0;
	v3 =	vimm.f32 $0.0e+00;
	v1 =	vadd.f32 v4, v19  }
0x3c: {  	v4 =	vimm.f32 $0.0e+00;
	v13 =	vshll.u32 v9, $0x10;
	v21 =	vand.u32 $0xFFFF0000, v16  }
0x3d: {  	s14 =	simm.s32 $0x400;
	v12 =	vld.idx.msk [tilespmem:v12+s2+$0x0], $0xffff;
	v2 =	vadd.f32 v5, v2;
	v5 =	vimm.f32 $0.0e+00;
	v19 =	vand.u32 $0xFFFF0000, v11  }
.LBB2_2:
0x3e: {  	s15 =	sshra.s32 s14, $0x2;
	p0 =	sne.s32 s14, $0x18C00;
	s14 =	sadd.s32 $0x400, s14;
	v22 =	vsel vm4, v23, v22;
	v0 =	vadd.f32 v18, v0;
	v18 =	vshll.u32 v15, $0x10  }
0x3f: {  	v11 =	vshll.u32 v11, $0x10;
	v24 =	vand.u32 $0xFFFF0000, v20;
	v20 =	vshll.u32 v20, $0x10;
	v23 =	vld [tilespmem:s15+$0xC880]  }
0x40: {  	v16 =	vshll.u32 v16, $0x10;
	v15 =	vand.u32 $0xFFFF0000, v15;
	v20 =	vsel vm7, v24, v20;
	v25 =	vld [tilespmem:s15+$0xC890]  }
0x41: {  	v4 =	vadd.f32 v22, v4;
	v15 =	vsel vm3, v15, v18;
	v0 =	vadd.f32 v20, v0;
	v24 =	vld [tilespmem:s15+$0xC870]  }
0x42: {  	v16 =	vsel vm1, v21, v16;
	v11 =	vsel vm5, v19, v11;
	v19 =	vand.u32 $0xFFFF0000, v12;
	v18 =	vld [tilespmem:s15+$0xC8A0]  }
0x43: {  	v9 =	vand.u32 $0xFFFF0000, v9;
	v7 =	vadd.f32 v15, v7;
	v4 =	vadd.f32 v17, v4;
	v20 =	vld [tilespmem:s15+$0xC8C0]  }
0x44: {  	v9 =	vsel vm6, v9, v13;
	v6 =	vadd.f32 v16, v6;
	v3 =	vadd.f32 v11, v3;
	v15 =	vld [tilespmem:s15+$0xC850]  }
0x45: {  	v10 =	vsel vm2, v14, v10;
	vm9 =	vgt.s32 v23, $0xC7FF;
	v11 =	vld [tilespmem:s15+$0xC800];
	vm8 =	vgt.s32 v25, $0xC7FF  }
0x46: {  	v5 =	vadd.f32 v10, v5;
	v3 =	vadd.f32 v9, v3;
	v9 =	vshll.u32 v12, $0x10;
	v13 =	vld [tilespmem:s15+$0xC840]  }
0x47: {  	v9 =	vsel vm0, v19, v9;
	v10 =	vld [tilespmem:s15+$0xC810];
	vm10 =	vgt.s32 v18, $0xC7FF;
	v12 =	vadd.s32 $0xFFFF3800, v18  }
0x48: {  	v14 =	vld [tilespmem:s15+$0xC820];
	v12 =	vsel vm10, v12, v18;
	vm11 =	vgt.s32 v20, $0xC7FF;
	v16 =	vadd.s32 $0xFFFF3800, v20  }
0x49: {  	vm13 =	vgt.s32 v24, $0xC7FF;
	vm12 =	vgt.s32 v15, $0xC7FF;
	v17 =	vadd.s32 $0xFFFF3800, v15;
	v18 =	vld [tilespmem:s15+$0xC8B0]  }
0x4a: {  	v19 =	vadd.s32 $0xFFFF3800, v23;
	v15 =	vsel vm12, v17, v15;
	v17 =	vadd.s32 $0xFFFF3800, v24;
	v21 =	vld [tilespmem:s15+$0xC8E0]  }
0x4b: {  	v5 =	vadd.f32 v9, v5;
	v16 =	vsel vm11, v16, v20;
	v22 =	vld [tilespmem:s15+$0xC860];
	v17 =	vsel vm13, v17, v24  }
0x4c: {  	v6 =	vadd.f32 v8, v6;
	v9 =	vsel vm9, v19, v23;
	vm1 =	vgt.s32 v11, $0xC7FF;
	v19 =	vld [tilespmem:s15+$0xC8F0]  }
0x4d: {  	v23 =	vadd.s32 $0xFFFF3800, v25;
	vm15 =	vgt.s32 v14, $0xC7FF;
	v8 =	vadd.s32 $0xFFFF3800, v14;
	v20 =	vld [tilespmem:s15+$0xC830]  }
0x4e: {  	vm4 =	vgt.s32 v10, $0xC7FF;
	v8 =	vsel vm15, v8, v14;
	v14 =	vsel vm8, v23, v25;
	v12 =	vld.idx.msk [tilespmem:v12+s2+$0x0], $0xffff  }
0x4f: {  	vm14 =	vgt.s32 v13, $0xC7FF;
	v23 =	vadd.s32 $0xFFFF3800, v13;
	v24 =	vld [tilespmem:s15+$0xC8D0];
	vm0 =	vgt.s32 v21, $0xC7FF  }
0x50: {  	v13 =	vsel vm14, v23, v13;
	v23 =	vadd.s32 $0xFFFF3800, v21;
	v15 =	vld.idx.msk [tilespmem:v15+s2+$0x0], $0xffff;
	vm2 =	vgt.s32 v22, $0xC7FF  }
0x51: {  	v26 =	vadd.s32 $0xFFFF3800, v18;
	v25 =	vadd.s32 $0xFFFF3800, v22;
	v9 =	vld.idx.msk [tilespmem:v9+s2+$0x0], $0xffff;
	vm3 =	vgt.s32 v19, $0xC7FF  }
0x52: {  	v27 =	vadd.s32 $0xFFFF3800, v10;
	v22 =	vsel vm2, v25, v22;
	v25 =	vadd.s32 $0xFFFF3800, v19;
	v16 =	vld.idx.msk [tilespmem:v16+s2+$0x0], $0xffff  }
0x53: {  	v28 =	vadd.s32 $0xFFFF3800, v11;
	v10 =	vsel vm4, v27, v10;
	vm5 =	vgt.s32 v20, $0xC7FF;
	v17 =	vld.idx.msk [tilespmem:v17+s2+$0x0], $0xffff  }
0x54: {  	v27 =	vadd.s32 $0xFFFF3800, v20;
	v19 =	vsel vm3, v25, v19;
	v29 =	vand.u32 $0xFFFF0000, v12;
	v8 =	vld.idx.msk [tilespmem:v8+s2+$0x0], $0xffff  }
0x55: {  	vm6 =	vgt.s32 v18, $0xC7FF;
	v20 =	vsel vm5, v27, v20;
	v12 =	vshll.u32 v12, $0x10;
	v13 =	vld.idx.msk [tilespmem:v13+s2+$0x0], $0xffff  }
0x56: {  	v18 =	vsel vm6, v26, v18;
	vm7 =	vgt.s32 v24, $0xC7FF;
	v25 =	vadd.s32 $0xFFFF3800, v24  }
0x57: {  	v26 =	vsel vm1, v28, v11;
	v27 =	vand.u32 $0xFFFF0000, v15;
	v24 =	vsel vm7, v25, v24  }
0x58: {  	v15 =	vshll.u32 v15, $0x10;
	v28 =	vand.u32 $0xFFFF0000, v16;
	v25 =	vld.idx.msk [tilespmem:v22+s2+$0x0], $0xffff;
	v22 =	vshll.u32 v9, $0x10  }
0x59: {  	v31 =	vshll.u32 v16, $0x10;
	v30 =	vand.u32 $0xFFFF0000, v17;
	v17 =	vshll.u32 v17, $0x10;
	v14 =	vld.idx.msk [tilespmem:v14+s2+$0x0], $0xffff  }
0x5a: {  	v21 =	vsel vm0, v23, v21;
	v32 =	vld.idx.msk [tilespmem:v10+s2+$0x0], $0xffff;
	v10 =	vand.u32 $0xFFFF0000, v8;
	v8 =	vshll.u32 v8, $0x10  }
0x5b: {  	v23 =	vand.u32 $0xFFFF0000, v13;
	v8 =	vsel vm15, v10, v8;
	v10 =	vand.u32 $0xFFFF0000, v9;
	v9 =	vld.idx.msk [tilespmem:v18+s2+$0x0], $0xffff  }
0x5c: {  	v12 =	vsel vm10, v29, v12;
	v30 =	vsel vm13, v30, v17;
	v1 =	vadd.f32 v8, v1;
	v11 =	vld.idx.msk [tilespmem:v20+s2+$0x0], $0xffff  }
0x5d: {  	v13 =	vshll.u32 v13, $0x10;
	v8 =	vsel vm9, v10, v22;
	v16 =	vld.idx.msk [tilespmem:v26+s2+$0x0], $0xffff;
	v26 =	vsel vm11, v28, v31  }
0x5e: {  	v18 =	vsel vm12, v27, v15;
	v10 =	vshll.u32 v25, $0x10;
	v1 =	vadd.f32 v12, v1;
	v15 =	vld.idx.msk [tilespmem:v19+s2+$0x0], $0xffff  }
.Ltmp0:
0x5f: {  	v12 =	vand.u32 $0xFFFF0000, v14;
	v14 =	vshll.u32 v14, $0x10;
	v20 =	vld.idx.msk [tilespmem:v24+s2+$0x0], $0xffff;
	(pc) =	sbr.rel @p0 .LBB2_2-.Ltmp0, $4  }
0x60: {  	v13 =	vsel vm14, v23, v13;
	v17 =	vsel vm8, v12, v14  }
0x61: {  	v7 =	vadd.f32 v30, v7;
	v2 =	vadd.f32 v13, v2;
	v13 =	vshll.u32 v9, $0x10  }
0x62: {  	v22 =	vshll.u32 v32, $0x10;
	v14 =	vand.u32 $0xFFFF0000, v25;
	v19 =	vand.u32 $0xFFFF0000, v11;
	v12 =	vld.idx.msk [tilespmem:v21+s2+$0x0], $0xffff  }
0x63: {  	v2 =	vadd.f32 v26, v2;
	v23 =	vand.u32 $0xFFFF0000, v32;
	v21 =	vand.u32 $0xFFFF0000, v16  }
0x64: {  	v16 =	vshll.u32 v16, $0x10  }
0x65: {  	v53 =	vsel vm4, v23, v22;
	v0 =	vadd.f32 v18, v0;
	v11 =	vshll.u32 v11, $0x10  }
0x66: {  	v54 =	vshll.u32 v15, $0x10;
	v55 =	vand.u32 $0xFFFF0000, v9;
	v56 =	vand.u32 $0xFFFF0000, v20  }
0x67: {  	v57 =	vshll.u32 v20, $0x10;
	v59 =	vsel vm2, v14, v10;
	v62 =	vand.u32 $0xFFFF0000, v15  }
0x68: {  	v16 =	vsel vm1, v21, v16;
	v4 =	vadd.f32 v53, v4;
	v58 =	vsel vm7, v56, v57  }
0x69: {  	[tilespmem:$0x12C20] =	vst v1;
	v5 =	vadd.f32 v59, v5;
	v1 =	vsel vm3, v62, v54;
	v0 =	vadd.f32 v58, v0  }
0x6a: {  	v11 =	vsel vm5, v19, v11;
	[tilespmem:$0x12C40] =	vst v2;
	v6 =	vadd.f32 v16, v6;
	v1 =	vadd.f32 v1, v7  }
0x6b: {  	v3 =	vadd.f32 v11, v3;
	v4 =	vadd.f32 v17, v4;
	v60 =	vand.u32 $0xFFFF0000, v12;
	[tilespmem:$0x12C50] =	vst v0  }
0x6c: {  	v61 =	vshll.u32 v12, $0x10;
	v6 =	vadd.f32 v8, v6;
	v8 =	vsel vm6, v55, v13;
	[tilespmem:$0x12C70] =	vst v1  }
0x6d: {  	v3 =	vadd.f32 v8, v3;
	[tilespmem:$0x12C10] =	vst v4;
	v4 =	vsel vm0, v60, v61  }
0x6e: {  	s13 =	sadd.s32 $0x1, s13;
	[tilespmem:$0x12C00] =	vst v6;
	v63 =	vadd.f32 v4, v5  }
0x6f: {  	p0 =	sne.s32 s13, s6;
	[tilespmem:$0x12C30] =	vst v3  }
.Ltmp1:
0x70: {  	[tilespmem:$0x12C60] =	vst v63;
	(pc) =	sbr.rel @p0 .LBB2_1-.Ltmp1, $4  }
0x71: {  	[hbm4b:s5+s2] =	stream.linear.scatter [tilespmem:s12], [sflag:$0x2], $0x80, $0x38;
	[tilespmem:$0x12C80] =	vst v63  }
0x72: {  	_ =	swait.ge [sflag:s10], $0x80  }
0x73: {  	[sflag:s10] =	ssyncset.done $0x0  }
0x74: {  	[sflag:s10] =	ssyncadd.s32 $0xFFFFFF80  }
0x75: {  	_ =	sfence.sel $0x180000  }
0x76: {  	[bflag:$0x0] =	sbarrier.arrive $0xFFFF  }
0x77: {  	p0 =	sne.s32 s1, $0x0;
	_ =	strace $0x90000047  }
0x78: {  	s0 =	sadd.s32 @!p0 $0x100000, s0;
	[bflag:$0x2] =	sbarrier.arrive $0xFFFF  }
0x79: {  	[sflag:s0] =	ssyncadd.tile.s32 @!p0 $0x1;
	_ =	shalt  }
.Lfunc_end2:
_tile_overlayer_lowered:
.L_overlay_start_2:
0x7a: {  	(tag) =	ssettag $0x2  }
0x7b: {  	s0 =	rddreg [dreg:$0x0];
	s2 =	stileid.u32  }
0x7c: {  	s1 =	rddreg [dreg:$0x1];
	p0 =	sne.s32 s2, $0x0  }
0x7d: {  	s3 =	rddreg [dreg:$0x2];
	[bflag:$0x3] =	sbarrier.arrive $0xFFFF;
	s2 =	simm.s32 @!p0 $0x1C02  }
0x7e: {  	[timem:s3], [sflag:s2] =	dma.local @!p0 [hbm:s0], s1  }
0x7f: {  	s0 =	simm.s32 @!p0 $0x2  }
0x80: {  	_ =	swait.ge @!p0 [sflag:s0], s1  }
0x81: {  	s1 =	ssub.s32 @!p0 $0x0, s1;
	[sflag:s0] =	ssyncset.done @!p0 $0x0  }
0x82: {  	[sflag:s0] =	ssyncadd.s32 @!p0 s1  }
0x83: {  	[bflag:$0x3] =	sbarrier.arrive $0xFFFF  }
0x84: {  	_ =	shalt  }

</sc_bundles>
